<compile_context>
chip_gen: v7x
topology: tpu7x:2x2x1
jax: 0.10.2.dev20260603
libtpu: 0.0.44.dev20260713+nightly
codegen_flags: <defaults>
</compile_context>

<pallas_src>
import jax
import jax.numpy as jnp
from jax import lax
from jax.experimental import pallas as pl
from jax.experimental.pallas import tpu as pltpu

_F32 = jnp.float32
_I32 = jnp.int32

_D = 2048
_LM = 128
_MAX_LM = 64
_B = 4
_K = 64
_NTOK = _B * 4096
_ROWS = _B * _K
_RPS = 16
_NSTEP = _ROWS // _RPS
_SPB = _K // _RPS


def _tc_body(sgr_ref, misc_ref,
             ttt_ref, tp_ref, ema_ref, w_ref, aein_ref, aiin_ref,
             *rest):
    xrefs = rest[:_RPS]
    aeout_ref, aiout_ref, lmout_ref, scalout_ref = rest[_RPS:_RPS + 4]
    acc4_ref, den4_ref = rest[_RPS + 4:]
    s = pl.program_id(0)
    lane = lax.broadcasted_iota(_I32, (1, _LM), 1)

    @pl.when(s == 0)
    def _():
        acc4_ref[...] = jnp.zeros((_B * 8, _D // 8), _F32)
        den4_ref[...] = jnp.zeros((_B, _LM), _F32)

    base = s * _RPS
    b = s // _SPB
    rowacc = jnp.zeros((8, _D // 8), _F32)
    etot = _F32(0.0)
    for k in range(_RPS):
        fj = sgr_ref[base + k]
        trow = ttt_ref[pl.ds(fj // _LM, 1), :]
        impj = jnp.sum(jnp.where(lane == fj % _LM, trow, _F32(0.0)))
        ej = jnp.exp(_F32(5.0) * impj)
        rowacc = rowacc + ej * xrefs[k][0]
        etot = etot + ej
    acc4_ref[pl.ds(b * 8, 8), :] = acc4_ref[pl.ds(b * 8, 8), :] + rowacc
    den4_ref[pl.ds(b, 1), :] = den4_ref[pl.ds(b, 1), :] + etot

    @pl.when(s == _NSTEP - 1)
    def _():
        raw = jnp.zeros((8, _D // 8), _F32)
        for bb in range(_B):
            dbb = jnp.sum(jnp.where(lane == 0, den4_ref[bb:bb + 1, :], _F32(0.0)))
            raw = raw + acc4_ref[8 * bb:8 * bb + 8, :] * (_F32(0.25) / dbb)
        lm = jnp.zeros((1, _LM), _F32)
        for ss in range(8):
            lm = lm + jax.lax.dot_general(
                raw[ss:ss + 1, :], w_ref[:, ss, :], (((1,), (1,)), ((), ())),
                preferred_element_type=_F32)
        lmout_ref[...] = lm

        mean_err = jnp.sum(ttt_ref[...]) * _F32(1.0 / _NTOK)
        full_prob = jnp.sum(tp_ref[...]) * _F32(0.25)
        emav = ema_ref[...]
        m = jnp.sum(jnp.where(lane == 0, emav, _F32(0.0)))
        v = jnp.sum(jnp.where(lane == 1, emav, _F32(0.0)))
        delta = mean_err - m
        new_mean = m + _F32(0.05) * delta
        new_var = v * _F32(0.95) + _F32(0.05) * delta * delta
        thr = jnp.maximum(
            new_mean + _F32(0.5) * jnp.sqrt(jnp.maximum(new_var, _F32(1e-8))),
            _F32(0.3))
        skip = jnp.logical_and(mean_err < thr, full_prob < _F32(0.5))
        af = jnp.where(skip, _F32(0.0), _F32(1.0))
        score = mean_err * full_prob + _F32(1e-6)

        n = misc_ref[0]
        aeout_ref[...] = aein_ref[...]
        old = aein_ref[pl.ds(n, 1), :]
        aeout_ref[pl.ds(n, 1), :] = af * lm + (_F32(1.0) - af) * old

        lane64 = lax.broadcasted_iota(_I32, (1, _MAX_LM), 1)
        ai = aiin_ref[...]
        newi = af * score + (_F32(1.0) - af) * ai
        aiout_ref[...] = jnp.where(lane64 == n, newi, ai)

        sv = jnp.where(lane == 0, new_mean,
                       jnp.where(lane == 1, new_var,
                                 jnp.where(lane == 2, af, _F32(0.0))))
        scalout_ref[...] = sv


def kernel(scan_out, ttt_importance, tier_probs, sgr_indices, W_compress,
           archived_embeddings, archived_importance, err_ema_mean, err_ema_var,
           n_archived):
    x3 = scan_out.reshape(_NTOK, 8, _D // 8)
    w3 = W_compress.reshape(_LM, 8, _D // 8)
    ttt2 = ttt_importance.reshape(_NTOK // _LM, _LM)
    sgrv = sgr_indices.astype(_I32)
    base = (jnp.arange(_B, dtype=_I32) * 4096)[:, None]
    sgr = (sgrv + base).reshape(_ROWS)
    tp = jnp.zeros((1, _LM), _F32).at[0, :4].set(tier_probs[:, 2].astype(_F32))
    ema = jnp.zeros((1, _LM), _F32).at[0, 0].set(err_ema_mean).at[0, 1].set(err_ema_var)
    misc = jnp.zeros((8,), _I32).at[0].set(jnp.asarray(n_archived, _I32))
    aiin = archived_importance.reshape(1, _MAX_LM)

    const = lambda i, p1, p2: (0, 0)
    in_specs = [
        pl.BlockSpec((_NTOK // _LM, _LM), const),
        pl.BlockSpec((1, _LM), const),
        pl.BlockSpec((1, _LM), const),
        pl.BlockSpec((_LM, 8, _D // 8), lambda i, p1, p2: (0, 0, 0)),
        pl.BlockSpec((_MAX_LM, _LM), const),
        pl.BlockSpec((1, _MAX_LM), const),
    ] + [
        pl.BlockSpec((1, 8, _D // 8),
                     (lambda i, p1, p2, k=k: (p1[_RPS * i + k], 0, 0)))
        for k in range(_RPS)
    ]
    out_specs = [
        pl.BlockSpec((_MAX_LM, _LM), const),
        pl.BlockSpec((1, _MAX_LM), const),
        pl.BlockSpec((1, _LM), const),
        pl.BlockSpec((1, _LM), const),
    ]
    grid_spec = pltpu.PrefetchScalarGridSpec(
        num_scalar_prefetch=2,
        grid=(_NSTEP,),
        in_specs=in_specs,
        out_specs=out_specs,
        scratch_shapes=[
            pltpu.VMEM((_B * 8, _D // 8), _F32),
            pltpu.VMEM((_B, _LM), _F32),
        ],
    )
    aeout, aiout, lmout, scal = pl.pallas_call(
        _tc_body,
        grid_spec=grid_spec,
        out_shape=[
            jax.ShapeDtypeStruct((_MAX_LM, _LM), _F32),
            jax.ShapeDtypeStruct((1, _MAX_LM), _F32),
            jax.ShapeDtypeStruct((1, _LM), _F32),
            jax.ShapeDtypeStruct((1, _LM), _F32),
        ],
    )(sgr, misc, ttt2, tp, ema, w3,
      archived_embeddings, aiin, *([x3] * _RPS))

    return (aeout, aiout.reshape(_MAX_LM), lmout.reshape(_LM),
            scal[0, 2] > 0.5, scal[0, 0], scal[0, 1])

# --- scband reference (transcript-rebuilt; emitter-appended) ---
"""Pipeline reference for scband-native-landmark-archive-9234179686575 (READ-ONLY COPY).

The authoritative reference and input builder live on the scoring server;
editing this copy changes nothing except your own understanding.
"""

import jax, jax.numpy as jnp
import numpy as np

D_MODEL = 2048
LM_DIM = 128
MAX_LM = 64
THR = 0.3
ALPHA = 0.05


def setup_inputs(seed: int = 0) -> dict:
    key = jax.random.key(seed)
    ks = jax.random.split(key, 8)
    scan_out = jax.random.normal(ks[0], (4, 4096, D_MODEL), dtype=jnp.float32)
    ttt_importance = jax.random.uniform(ks[1], (4, 4096), dtype=jnp.float32)
    tier_probs = jax.random.uniform(ks[2], (4, 3), dtype=jnp.float32)
    sgr_indices = jax.random.randint(ks[3], (4, 64), 0, 4096)
    # learned param: nn.Linear(d_model, landmark_dim, bias=False) -> weight [out, in]
    W_compress = jax.random.normal(ks[4], (LM_DIM, D_MODEL), dtype=jnp.float32) * (1.0 / np.sqrt(D_MODEL))
    # module buffers (archive state)
    archived_embeddings = jnp.zeros((MAX_LM, LM_DIM), dtype=jnp.float32)
    archived_importance = jnp.zeros((MAX_LM,), dtype=jnp.float32)
    err_ema_mean = jnp.asarray(0.0, dtype=jnp.float32)
    err_ema_var = jnp.asarray(0.1, dtype=jnp.float32)
    n_archived = 0
    return {
        'scan_out': scan_out,
        'ttt_importance': ttt_importance,
        'tier_probs': tier_probs,
        'sgr_indices': sgr_indices,
        'W_compress': W_compress,
        'archived_embeddings': archived_embeddings,
        'archived_importance': archived_importance,
        'err_ema_mean': err_ema_mean,
        'err_ema_var': err_ema_var,
        'n_archived': n_archived,
    }


def reference(scan_out, ttt_importance, tier_probs, sgr_indices, W_compress,
              archived_embeddings, archived_importance, err_ema_mean, err_ema_var, n_archived):
    # --- maybe_archive ---
    mean_err = jnp.mean(ttt_importance)
    full_prob = jnp.mean(tier_probs[:, 2])
    # adaptive EMA update (in-place buffer math in torch)
    delta = mean_err - err_ema_mean
    new_mean = err_ema_mean + ALPHA * delta
    new_var = err_ema_var * (1.0 - ALPHA) + ALPHA * jnp.square(delta)
    adaptive_thr = new_mean + 0.5 * jnp.sqrt(jnp.clip(new_var, 1e-08, None))
    threshold = jnp.maximum(adaptive_thr, THR)
    should_skip = jnp.logical_and(mean_err < threshold, full_prob < 0.5)
    should_archive = jnp.logical_not(should_skip)
    # gather top-K tokens per batch and importance-weighted compression
    key_toks = jnp.take_along_axis(scan_out, sgr_indices[:, :, None], axis=1)  # [B, K, D]
    imp = jnp.take_along_axis(ttt_importance, sgr_indices, axis=1)             # [B, K]
    imp_w = jax.nn.softmax(imp * 5.0, axis=1)[:, :, None]                       # [B, K, 1]
    per_b = jnp.sum(key_toks * imp_w, axis=1)                                   # [B, D]
    landmark_raw = jnp.mean(per_b, axis=0)                                      # [D]
    landmark_emb = W_compress @ landmark_raw                                    # [LM_DIM]
    importance_score = mean_err * full_prob + 1e-06
    # _store_landmark: scatter-overwrite into the archive at row n_archived
    new_arch_emb = jnp.where(should_archive,
                             archived_embeddings.at[n_archived].set(landmark_emb),
                             archived_embeddings)
    new_arch_imp = jnp.where(should_archive,
                             archived_importance.at[n_archived].set(importance_score),
                             archived_importance)
    return new_arch_emb, new_arch_imp, landmark_emb, should_archive, new_mean, new_var

if __name__ == "__main__":
    import jax
    _d = setup_inputs()
    print(jax.jit(kernel)(*tuple(_d.values())))

</pallas_src>

<mosaic_0001>
module attributes {stable_mosaic.version = 14 : i64} {
  func.func @_tc_body(%arg0: i32, %arg1: memref<256xi32, #tpu.memory_space<smem>>, %arg2: memref<8xi32, #tpu.memory_space<smem>>, %arg3: memref<128x128xf32, #tpu.memory_space<vmem>>, %arg4: memref<1x128xf32, #tpu.memory_space<vmem>>, %arg5: memref<1x128xf32, #tpu.memory_space<vmem>>, %arg6: memref<128x8x256xf32, #tpu.memory_space<vmem>>, %arg7: memref<64x128xf32, #tpu.memory_space<vmem>>, %arg8: memref<1x64xf32, #tpu.memory_space<vmem>>, %arg9: memref<1x8x256xf32, #tpu.memory_space<vmem>>, %arg10: memref<1x8x256xf32, #tpu.memory_space<vmem>>, %arg11: memref<1x8x256xf32, #tpu.memory_space<vmem>>, %arg12: memref<1x8x256xf32, #tpu.memory_space<vmem>>, %arg13: memref<1x8x256xf32, #tpu.memory_space<vmem>>, %arg14: memref<1x8x256xf32, #tpu.memory_space<vmem>>, %arg15: memref<1x8x256xf32, #tpu.memory_space<vmem>>, %arg16: memref<1x8x256xf32, #tpu.memory_space<vmem>>, %arg17: memref<1x8x256xf32, #tpu.memory_space<vmem>>, %arg18: memref<1x8x256xf32, #tpu.memory_space<vmem>>, %arg19: memref<1x8x256xf32, #tpu.memory_space<vmem>>, %arg20: memref<1x8x256xf32, #tpu.memory_space<vmem>>, %arg21: memref<1x8x256xf32, #tpu.memory_space<vmem>>, %arg22: memref<1x8x256xf32, #tpu.memory_space<vmem>>, %arg23: memref<1x8x256xf32, #tpu.memory_space<vmem>>, %arg24: memref<1x8x256xf32, #tpu.memory_space<vmem>>, %arg25: memref<64x128xf32, #tpu.memory_space<vmem>>, %arg26: memref<1x64xf32, #tpu.memory_space<vmem>>, %arg27: memref<1x128xf32, #tpu.memory_space<vmem>>, %arg28: memref<1x128xf32, #tpu.memory_space<vmem>>, %arg29: memref<32x256xf32, #tpu.memory_space<vmem>>, %arg30: memref<4x128xf32, #tpu.memory_space<vmem>>) attributes {dimension_semantics = [#tpu.dimension_semantics<arbitrary>], iteration_bounds = array<i64: 16>, scalar_prefetch = 2 : i64, scratch_operands = 2 : i64, tpu.core_type = #tpu.core_type<tc>, window_params = [{pipeline_mode = #tpu.pipeline_mode<synchronous>, transform_indices = @transform_0, window_bounds = array<i64: 128, 128>}, {pipeline_mode = #tpu.pipeline_mode<synchronous>, transform_indices = @transform_1, window_bounds = array<i64: 1, 128>}, {pipeline_mode = #tpu.pipeline_mode<synchronous>, transform_indices = @transform_2, window_bounds = array<i64: 1, 128>}, {pipeline_mode = #tpu.pipeline_mode<synchronous>, transform_indices = @transform_3, window_bounds = array<i64: 128, 8, 256>}, {pipeline_mode = #tpu.pipeline_mode<synchronous>, transform_indices = @transform_4, window_bounds = array<i64: 64, 128>}, {pipeline_mode = #tpu.pipeline_mode<synchronous>, transform_indices = @transform_5, window_bounds = array<i64: 1, 64>}, {transform_indices = @transform_6, window_bounds = array<i64: 1, 8, 256>}, {transform_indices = @transform_7, window_bounds = array<i64: 1, 8, 256>}, {transform_indices = @transform_8, window_bounds = array<i64: 1, 8, 256>}, {transform_indices = @transform_9, window_bounds = array<i64: 1, 8, 256>}, {transform_indices = @transform_10, window_bounds = array<i64: 1, 8, 256>}, {transform_indices = @transform_11, window_bounds = array<i64: 1, 8, 256>}, {transform_indices = @transform_12, window_bounds = array<i64: 1, 8, 256>}, {transform_indices = @transform_13, window_bounds = array<i64: 1, 8, 256>}, {transform_indices = @transform_14, window_bounds = array<i64: 1, 8, 256>}, {transform_indices = @transform_15, window_bounds = array<i64: 1, 8, 256>}, {transform_indices = @transform_16, window_bounds = array<i64: 1, 8, 256>}, {transform_indices = @transform_17, window_bounds = array<i64: 1, 8, 256>}, {transform_indices = @transform_18, window_bounds = array<i64: 1, 8, 256>}, {transform_indices = @transform_19, window_bounds = array<i64: 1, 8, 256>}, {transform_indices = @transform_20, window_bounds = array<i64: 1, 8, 256>}, {transform_indices = @transform_21, window_bounds = array<i64: 1, 8, 256>}, {pipeline_mode = #tpu.pipeline_mode<synchronous>, transform_indices = @transform_22, window_bounds = array<i64: 64, 128>}, {pipeline_mode = #tpu.pipeline_mode<synchronous>, transform_indices = @transform_23, window_bounds = array<i64: 1, 64>}, {pipeline_mode = #tpu.pipeline_mode<synchronous>, transform_indices = @transform_24, window_bounds = array<i64: 1, 128>}, {pipeline_mode = #tpu.pipeline_mode<synchronous>, transform_indices = @transform_25, window_bounds = array<i64: 1, 128>}]} {
    %iota3A = tpu.iota {dimensions = array<i32: 1>} : vector<1x128xi32>
    %eq3A = arith.constant 0 : i32
    %eq3A_0 = arith.cmpi eq, %arg0, %eq3A : i32
    %convert_element_type3A = arith.extui %eq3A_0 : i1 to i32
    %cond3A = arith.constant 0 : i32
    %cond3A_1 = arith.cmpi ne, %convert_element_type3A, %cond3A : i32
    scf.if %cond3A_1 {
      %broadcast_in_dim3A_1143 = arith.constant 0.000000e+00 : f32
      %broadcast_in_dim3A_1144 = vector.broadcast %broadcast_in_dim3A_1143 : f32 to vector<32x256xf32>
      %swap3A_1145 = arith.constant 0 : index
      %swap3A_1146 = arith.constant 0 : index
      %swap3A_1147 = vector.load %arg29[%swap3A_1145, %swap3A_1146] : memref<32x256xf32, #tpu.memory_space<vmem>>, vector<32x256xf32>
      tpu.vector_store %arg29[%swap3A_1145, %swap3A_1146], %broadcast_in_dim3A_1144 {strides = array<i32>} : memref<32x256xf32, #tpu.memory_space<vmem>>, vector<32x256xf32>,
      %broadcast_in_dim3A_1148 = arith.constant 0.000000e+00 : f32
      %broadcast_in_dim3A_1149 = vector.broadcast %broadcast_in_dim3A_1148 : f32 to vector<4x128xf32>
      %swap3A_1150 = arith.constant 0 : index
      %swap3A_1151 = arith.constant 0 : index
      %swap3A_1152 = vector.load %arg30[%swap3A_1150, %swap3A_1151] : memref<4x128xf32, #tpu.memory_space<vmem>>, vector<4x128xf32>
      tpu.vector_store %arg30[%swap3A_1150, %swap3A_1151], %broadcast_in_dim3A_1149 {strides = array<i32>} : memref<4x128xf32, #tpu.memory_space<vmem>>, vector<4x128xf32>,
    } else {
    }
    %mul3A = arith.constant 16 : i32
    %mul3A_2 = arith.muli %arg0, %mul3A : i32
    %jit3A = arith.constant 4 : i32
    %div3A = arith.divsi %arg0, %jit3A : i32
    %sign3A = arith.constant 0 : i32
    %sign3A_3 = arith.cmpi sgt, %arg0, %sign3A : i32
    %sign3A_4 = arith.extui %sign3A_3 : i1 to i32
    %sign3A_5 = arith.constant 0 : i32
    %sign3A_6 = arith.cmpi slt, %arg0, %sign3A_5 : i32
    %sign3A_7 = arith.extui %sign3A_6 : i1 to i32
    %sign3A_8 = arith.subi %sign3A_4, %sign3A_7 : i32
    %sign3A_9 = arith.constant 0 : i32
    %sign3A_10 = arith.cmpi sgt, %jit3A, %sign3A_9 : i32
    %sign3A_11 = arith.extui %sign3A_10 : i1 to i32
    %sign3A_12 = arith.constant 0 : i32
    %sign3A_13 = arith.cmpi slt, %jit3A, %sign3A_12 : i32
    %sign3A_14 = arith.extui %sign3A_13 : i1 to i32
    %sign3A_15 = arith.subi %sign3A_11, %sign3A_14 : i32
    %ne3A = arith.cmpi ne, %sign3A_8, %sign3A_15 : i32
    %rem3A = arith.remsi %arg0, %jit3A : i32
    %ne3A_16 = arith.constant 0 : i32
    %ne3A_17 = arith.cmpi ne, %rem3A, %ne3A_16 : i32
    %and3A = arith.andi %ne3A, %ne3A_17 : i1
    %sub3A = arith.constant 1 : i32
    %sub3A_18 = arith.subi %div3A, %sub3A : i32
    %select_n3A = arith.select %and3A, %sub3A_18, %div3A : i32
    %broadcast_in_dim3A = arith.constant 0.000000e+00 : f32
    %broadcast_in_dim3A_19 = vector.broadcast %broadcast_in_dim3A : f32 to vector<8x256xf32>
    %add3A = arith.constant 0 : i32
    %add3A_20 = arith.addi %mul3A_2, %add3A : i32
    %get3A = arith.index_cast %add3A_20 : i32 to index
    %get3A_21 = memref.load %arg1[%get3A] : memref<256xi32, #tpu.memory_space<smem>>
    %jit3A_22 = arith.constant 128 : i32
    %div3A_23 = arith.divsi %get3A_21, %jit3A_22 : i32
    %sign3A_24 = arith.constant 0 : i32
    %sign3A_25 = arith.cmpi sgt, %get3A_21, %sign3A_24 : i32
    %sign3A_26 = arith.extui %sign3A_25 : i1 to i32
    %sign3A_27 = arith.constant 0 : i32
    %sign3A_28 = arith.cmpi slt, %get3A_21, %sign3A_27 : i32
    %sign3A_29 = arith.extui %sign3A_28 : i1 to i32
    %sign3A_30 = arith.subi %sign3A_26, %sign3A_29 : i32
    %sign3A_31 = arith.constant 0 : i32
    %sign3A_32 = arith.cmpi sgt, %jit3A_22, %sign3A_31 : i32
    %sign3A_33 = arith.extui %sign3A_32 : i1 to i32
    %sign3A_34 = arith.constant 0 : i32
    %sign3A_35 = arith.cmpi slt, %jit3A_22, %sign3A_34 : i32
    %sign3A_36 = arith.extui %sign3A_35 : i1 to i32
    %sign3A_37 = arith.subi %sign3A_33, %sign3A_36 : i32
    %ne3A_38 = arith.cmpi ne, %sign3A_30, %sign3A_37 : i32
    %rem3A_39 = arith.remsi %get3A_21, %jit3A_22 : i32
    %ne3A_40 = arith.constant 0 : i32
    %ne3A_41 = arith.cmpi ne, %rem3A_39, %ne3A_40 : i32
    %and3A_42 = arith.andi %ne3A_38, %ne3A_41 : i1
    %sub3A_43 = arith.constant 1 : i32
    %sub3A_44 = arith.subi %div3A_23, %sub3A_43 : i32
    %select_n3A_45 = arith.select %and3A_42, %sub3A_44, %div3A_23 : i32
    %get3A_46 = arith.index_cast %select_n3A_45 : i32 to index
    %get3A_47 = arith.constant 0 : index
    %get3A_48 = vector.load %arg3[%get3A_46, %get3A_47] : memref<128x128xf32, #tpu.memory_space<vmem>>, vector<1x128xf32>
    %jit3A_49 = arith.constant 128 : i32
    %eq3A_50 = arith.constant 0 : i32
    %eq3A_51 = arith.cmpi eq, %jit3A_49, %eq3A_50 : i32
    %jit3A_52 = arith.constant 1 : i32
    %select_n3A_53 = arith.select %eq3A_51, %jit3A_52, %jit3A_49 : i32
    %rem3A_54 = arith.remsi %get3A_21, %select_n3A_53 : i32
    %ne3A_55 = arith.constant 0 : i32
    %ne3A_56 = arith.cmpi ne, %rem3A_54, %ne3A_55 : i32
    %lt3A = arith.constant 0 : i32
    %lt3A_57 = arith.cmpi slt, %rem3A_54, %lt3A : i32
    %lt3A_58 = arith.constant 0 : i32
    %lt3A_59 = arith.cmpi slt, %select_n3A_53, %lt3A_58 : i32
    %ne3A_60 = arith.xori %lt3A_57, %lt3A_59 : i1
    %and3A_61 = arith.andi %ne3A_60, %ne3A_56 : i1
    %add3A_62 = arith.addi %rem3A_54, %select_n3A_53 : i32
    %select_n3A_63 = arith.select %and3A_61, %add3A_62, %rem3A_54 : i32
    %eq3A_64 = vector.broadcast %select_n3A_63 : i32 to vector<1x128xi32>
    %eq3A_65 = arith.cmpi eq, %iota3A, %eq3A_64 : vector<1x128xi32>
    %jit3A_66 = arith.constant 0.000000e+00 : f32
    %broadcast_in_dim3A_67 = vector.broadcast %jit3A_66 : f32 to vector<1x128xf32>
    %select_n3A_68 = arith.select %eq3A_65, %get3A_48, %broadcast_in_dim3A_67 : vector<1x128xi1>, vector<1x128xf32>
    %reduce_sum3A = vector.shape_cast %select_n3A_68 : vector<1x128xf32> to vector<1x1x128xf32>
    %reduce_sum3A_69 = arith.constant dense<0.000000e+00> : vector<1xf32>
    %reduce_sum3A_70 = vector.multi_reduction <add>, %reduce_sum3A, %reduce_sum3A_69 [1, 2] : vector<1x1x128xf32> to vector<1xf32>
    %reduce_sum3A_71 = vector.shape_cast %reduce_sum3A_70 : vector<1xf32> to vector<1x1x1xf32>
    %reduce_sum3A_72 = vector.extract %reduce_sum3A_71[0, 0, 0] : f32 from vector<1x1x1xf32>
    %mul3A_73 = arith.constant 5.000000e+00 : f32
    %mul3A_74 = arith.mulf %mul3A_73, %reduce_sum3A_72 : f32
    %exp3A = math.exp %mul3A_74 : f32
    %get3A_75 = arith.constant 0 : index
    %get3A_76 = arith.constant 0 : index
    %get3A_77 = arith.constant 0 : index
    %get3A_78 = vector.load %arg9[%get3A_75, %get3A_76, %get3A_77] : memref<1x8x256xf32, #tpu.memory_space<vmem>>, vector<1x8x256xf32>
    %get3A_79 = vector.shape_cast %get3A_78 : vector<1x8x256xf32> to vector<8x256xf32>
    %mul3A_80 = vector.broadcast %exp3A : f32 to vector<8x256xf32>
    %mul3A_81 = arith.mulf %mul3A_80, %get3A_79 : vector<8x256xf32>
    %add3A_82 = arith.addf %broadcast_in_dim3A_19, %mul3A_81 : vector<8x256xf32>
    %add3A_83 = arith.constant 0.000000e+00 : f32
    %add3A_84 = arith.addf %add3A_83, %exp3A : f32
    %add3A_85 = arith.constant 1 : i32
    %add3A_86 = arith.addi %mul3A_2, %add3A_85 : i32
    %get3A_87 = arith.index_cast %add3A_86 : i32 to index
    %get3A_88 = memref.load %arg1[%get3A_87] : memref<256xi32, #tpu.memory_space<smem>>
    %jit3A_89 = arith.constant 128 : i32
    %div3A_90 = arith.divsi %get3A_88, %jit3A_89 : i32
    %sign3A_91 = arith.constant 0 : i32
    %sign3A_92 = arith.cmpi sgt, %get3A_88, %sign3A_91 : i32
    %sign3A_93 = arith.extui %sign3A_92 : i1 to i32
    %sign3A_94 = arith.constant 0 : i32
    %sign3A_95 = arith.cmpi slt, %get3A_88, %sign3A_94 : i32
    %sign3A_96 = arith.extui %sign3A_95 : i1 to i32
    %sign3A_97 = arith.subi %sign3A_93, %sign3A_96 : i32
    %sign3A_98 = arith.constant 0 : i32
    %sign3A_99 = arith.cmpi sgt, %jit3A_89, %sign3A_98 : i32
    %sign3A_100 = arith.extui %sign3A_99 : i1 to i32
    %sign3A_101 = arith.constant 0 : i32
    %sign3A_102 = arith.cmpi slt, %jit3A_89, %sign3A_101 : i32
    %sign3A_103 = arith.extui %sign3A_102 : i1 to i32
    %sign3A_104 = arith.subi %sign3A_100, %sign3A_103 : i32
    %ne3A_105 = arith.cmpi ne, %sign3A_97, %sign3A_104 : i32
    %rem3A_106 = arith.remsi %get3A_88, %jit3A_89 : i32
    %ne3A_107 = arith.constant 0 : i32
    %ne3A_108 = arith.cmpi ne, %rem3A_106, %ne3A_107 : i32
    %and3A_109 = arith.andi %ne3A_105, %ne3A_108 : i1
    %sub3A_110 = arith.constant 1 : i32
    %sub3A_111 = arith.subi %div3A_90, %sub3A_110 : i32
    %select_n3A_112 = arith.select %and3A_109, %sub3A_111, %div3A_90 : i32
    %get3A_113 = arith.index_cast %select_n3A_112 : i32 to index
    %get3A_114 = arith.constant 0 : index
    %get3A_115 = vector.load %arg3[%get3A_113, %get3A_114] : memref<128x128xf32, #tpu.memory_space<vmem>>, vector<1x128xf32>
    %jit3A_116 = arith.constant 128 : i32
    %eq3A_117 = arith.constant 0 : i32
    %eq3A_118 = arith.cmpi eq, %jit3A_116, %eq3A_117 : i32
    %jit3A_119 = arith.constant 1 : i32
    %select_n3A_120 = arith.select %eq3A_118, %jit3A_119, %jit3A_116 : i32
    %rem3A_121 = arith.remsi %get3A_88, %select_n3A_120 : i32
    %ne3A_122 = arith.constant 0 : i32
    %ne3A_123 = arith.cmpi ne, %rem3A_121, %ne3A_122 : i32
    %lt3A_124 = arith.constant 0 : i32
    %lt3A_125 = arith.cmpi slt, %rem3A_121, %lt3A_124 : i32
    %lt3A_126 = arith.constant 0 : i32
    %lt3A_127 = arith.cmpi slt, %select_n3A_120, %lt3A_126 : i32
    %ne3A_128 = arith.xori %lt3A_125, %lt3A_127 : i1
    %and3A_129 = arith.andi %ne3A_128, %ne3A_123 : i1
    %add3A_130 = arith.addi %rem3A_121, %select_n3A_120 : i32
    %select_n3A_131 = arith.select %and3A_129, %add3A_130, %rem3A_121 : i32
    %eq3A_132 = vector.broadcast %select_n3A_131 : i32 to vector<1x128xi32>
    %eq3A_133 = arith.cmpi eq, %iota3A, %eq3A_132 : vector<1x128xi32>
    %jit3A_134 = arith.constant 0.000000e+00 : f32
    %broadcast_in_dim3A_135 = vector.broadcast %jit3A_134 : f32 to vector<1x128xf32>
    %select_n3A_136 = arith.select %eq3A_133, %get3A_115, %broadcast_in_dim3A_135 : vector<1x128xi1>, vector<1x128xf32>
    %reduce_sum3A_137 = vector.shape_cast %select_n3A_136 : vector<1x128xf32> to vector<1x1x128xf32>
    %reduce_sum3A_138 = arith.constant dense<0.000000e+00> : vector<1xf32>
    %reduce_sum3A_139 = vector.multi_reduction <add>, %reduce_sum3A_137, %reduce_sum3A_138 [1, 2] : vector<1x1x128xf32> to vector<1xf32>
    %reduce_sum3A_140 = vector.shape_cast %reduce_sum3A_139 : vector<1xf32> to vector<1x1x1xf32>
    %reduce_sum3A_141 = vector.extract %reduce_sum3A_140[0, 0, 0] : f32 from vector<1x1x1xf32>
    %mul3A_142 = arith.constant 5.000000e+00 : f32
    %mul3A_143 = arith.mulf %mul3A_142, %reduce_sum3A_141 : f32
    %exp3A_144 = math.exp %mul3A_143 : f32
    %get3A_145 = arith.constant 0 : index
    %get3A_146 = arith.constant 0 : index
    %get3A_147 = arith.constant 0 : index
    %get3A_148 = vector.load %arg10[%get3A_145, %get3A_146, %get3A_147] : memref<1x8x256xf32, #tpu.memory_space<vmem>>, vector<1x8x256xf32>
    %get3A_149 = vector.shape_cast %get3A_148 : vector<1x8x256xf32> to vector<8x256xf32>
    %mul3A_150 = vector.broadcast %exp3A_144 : f32 to vector<8x256xf32>
    %mul3A_151 = arith.mulf %mul3A_150, %get3A_149 : vector<8x256xf32>
    %add3A_152 = arith.addf %add3A_82, %mul3A_151 : vector<8x256xf32>
    %add3A_153 = arith.addf %add3A_84, %exp3A_144 : f32
    %add3A_154 = arith.constant 2 : i32
    %add3A_155 = arith.addi %mul3A_2, %add3A_154 : i32
    %get3A_156 = arith.index_cast %add3A_155 : i32 to index
    %get3A_157 = memref.load %arg1[%get3A_156] : memref<256xi32, #tpu.memory_space<smem>>
    %jit3A_158 = arith.constant 128 : i32
    %div3A_159 = arith.divsi %get3A_157, %jit3A_158 : i32
    %sign3A_160 = arith.constant 0 : i32
    %sign3A_161 = arith.cmpi sgt, %get3A_157, %sign3A_160 : i32
    %sign3A_162 = arith.extui %sign3A_161 : i1 to i32
    %sign3A_163 = arith.constant 0 : i32
    %sign3A_164 = arith.cmpi slt, %get3A_157, %sign3A_163 : i32
    %sign3A_165 = arith.extui %sign3A_164 : i1 to i32
    %sign3A_166 = arith.subi %sign3A_162, %sign3A_165 : i32
    %sign3A_167 = arith.constant 0 : i32
    %sign3A_168 = arith.cmpi sgt, %jit3A_158, %sign3A_167 : i32
    %sign3A_169 = arith.extui %sign3A_168 : i1 to i32
    %sign3A_170 = arith.constant 0 : i32
    %sign3A_171 = arith.cmpi slt, %jit3A_158, %sign3A_170 : i32
    %sign3A_172 = arith.extui %sign3A_171 : i1 to i32
    %sign3A_173 = arith.subi %sign3A_169, %sign3A_172 : i32
    %ne3A_174 = arith.cmpi ne, %sign3A_166, %sign3A_173 : i32
    %rem3A_175 = arith.remsi %get3A_157, %jit3A_158 : i32
    %ne3A_176 = arith.constant 0 : i32
    %ne3A_177 = arith.cmpi ne, %rem3A_175, %ne3A_176 : i32
    %and3A_178 = arith.andi %ne3A_174, %ne3A_177 : i1
    %sub3A_179 = arith.constant 1 : i32
    %sub3A_180 = arith.subi %div3A_159, %sub3A_179 : i32
    %select_n3A_181 = arith.select %and3A_178, %sub3A_180, %div3A_159 : i32
    %get3A_182 = arith.index_cast %select_n3A_181 : i32 to index
    %get3A_183 = arith.constant 0 : index
    %get3A_184 = vector.load %arg3[%get3A_182, %get3A_183] : memref<128x128xf32, #tpu.memory_space<vmem>>, vector<1x128xf32>
    %jit3A_185 = arith.constant 128 : i32
    %eq3A_186 = arith.constant 0 : i32
    %eq3A_187 = arith.cmpi eq, %jit3A_185, %eq3A_186 : i32
    %jit3A_188 = arith.constant 1 : i32
    %select_n3A_189 = arith.select %eq3A_187, %jit3A_188, %jit3A_185 : i32
    %rem3A_190 = arith.remsi %get3A_157, %select_n3A_189 : i32
    %ne3A_191 = arith.constant 0 : i32
    %ne3A_192 = arith.cmpi ne, %rem3A_190, %ne3A_191 : i32
    %lt3A_193 = arith.constant 0 : i32
    %lt3A_194 = arith.cmpi slt, %rem3A_190, %lt3A_193 : i32
    %lt3A_195 = arith.constant 0 : i32
    %lt3A_196 = arith.cmpi slt, %select_n3A_189, %lt3A_195 : i32
    %ne3A_197 = arith.xori %lt3A_194, %lt3A_196 : i1
    %and3A_198 = arith.andi %ne3A_197, %ne3A_192 : i1
    %add3A_199 = arith.addi %rem3A_190, %select_n3A_189 : i32
    %select_n3A_200 = arith.select %and3A_198, %add3A_199, %rem3A_190 : i32
    %eq3A_201 = vector.broadcast %select_n3A_200 : i32 to vector<1x128xi32>
    %eq3A_202 = arith.cmpi eq, %iota3A, %eq3A_201 : vector<1x128xi32>
    %jit3A_203 = arith.constant 0.000000e+00 : f32
    %broadcast_in_dim3A_204 = vector.broadcast %jit3A_203 : f32 to vector<1x128xf32>
    %select_n3A_205 = arith.select %eq3A_202, %get3A_184, %broadcast_in_dim3A_204 : vector<1x128xi1>, vector<1x128xf32>
    %reduce_sum3A_206 = vector.shape_cast %select_n3A_205 : vector<1x128xf32> to vector<1x1x128xf32>
    %reduce_sum3A_207 = arith.constant dense<0.000000e+00> : vector<1xf32>
    %reduce_sum3A_208 = vector.multi_reduction <add>, %reduce_sum3A_206, %reduce_sum3A_207 [1, 2] : vector<1x1x128xf32> to vector<1xf32>
    %reduce_sum3A_209 = vector.shape_cast %reduce_sum3A_208 : vector<1xf32> to vector<1x1x1xf32>
    %reduce_sum3A_210 = vector.extract %reduce_sum3A_209[0, 0, 0] : f32 from vector<1x1x1xf32>
    %mul3A_211 = arith.constant 5.000000e+00 : f32
    %mul3A_212 = arith.mulf %mul3A_211, %reduce_sum3A_210 : f32
    %exp3A_213 = math.exp %mul3A_212 : f32
    %get3A_214 = arith.constant 0 : index
    %get3A_215 = arith.constant 0 : index
    %get3A_216 = arith.constant 0 : index
    %get3A_217 = vector.load %arg11[%get3A_214, %get3A_215, %get3A_216] : memref<1x8x256xf32, #tpu.memory_space<vmem>>, vector<1x8x256xf32>
    %get3A_218 = vector.shape_cast %get3A_217 : vector<1x8x256xf32> to vector<8x256xf32>
    %mul3A_219 = vector.broadcast %exp3A_213 : f32 to vector<8x256xf32>
    %mul3A_220 = arith.mulf %mul3A_219, %get3A_218 : vector<8x256xf32>
    %add3A_221 = arith.addf %add3A_152, %mul3A_220 : vector<8x256xf32>
    %add3A_222 = arith.addf %add3A_153, %exp3A_213 : f32
    %add3A_223 = arith.constant 3 : i32
    %add3A_224 = arith.addi %mul3A_2, %add3A_223 : i32
    %get3A_225 = arith.index_cast %add3A_224 : i32 to index
    %get3A_226 = memref.load %arg1[%get3A_225] : memref<256xi32, #tpu.memory_space<smem>>
    %jit3A_227 = arith.constant 128 : i32
    %div3A_228 = arith.divsi %get3A_226, %jit3A_227 : i32
    %sign3A_229 = arith.constant 0 : i32
    %sign3A_230 = arith.cmpi sgt, %get3A_226, %sign3A_229 : i32
    %sign3A_231 = arith.extui %sign3A_230 : i1 to i32
    %sign3A_232 = arith.constant 0 : i32
    %sign3A_233 = arith.cmpi slt, %get3A_226, %sign3A_232 : i32
    %sign3A_234 = arith.extui %sign3A_233 : i1 to i32
    %sign3A_235 = arith.subi %sign3A_231, %sign3A_234 : i32
    %sign3A_236 = arith.constant 0 : i32
    %sign3A_237 = arith.cmpi sgt, %jit3A_227, %sign3A_236 : i32
    %sign3A_238 = arith.extui %sign3A_237 : i1 to i32
    %sign3A_239 = arith.constant 0 : i32
    %sign3A_240 = arith.cmpi slt, %jit3A_227, %sign3A_239 : i32
    %sign3A_241 = arith.extui %sign3A_240 : i1 to i32
    %sign3A_242 = arith.subi %sign3A_238, %sign3A_241 : i32
    %ne3A_243 = arith.cmpi ne, %sign3A_235, %sign3A_242 : i32
    %rem3A_244 = arith.remsi %get3A_226, %jit3A_227 : i32
    %ne3A_245 = arith.constant 0 : i32
    %ne3A_246 = arith.cmpi ne, %rem3A_244, %ne3A_245 : i32
    %and3A_247 = arith.andi %ne3A_243, %ne3A_246 : i1
    %sub3A_248 = arith.constant 1 : i32
    %sub3A_249 = arith.subi %div3A_228, %sub3A_248 : i32
    %select_n3A_250 = arith.select %and3A_247, %sub3A_249, %div3A_228 : i32
    %get3A_251 = arith.index_cast %select_n3A_250 : i32 to index
    %get3A_252 = arith.constant 0 : index
    %get3A_253 = vector.load %arg3[%get3A_251, %get3A_252] : memref<128x128xf32, #tpu.memory_space<vmem>>, vector<1x128xf32>
    %jit3A_254 = arith.constant 128 : i32
    %eq3A_255 = arith.constant 0 : i32
    %eq3A_256 = arith.cmpi eq, %jit3A_254, %eq3A_255 : i32
    %jit3A_257 = arith.constant 1 : i32
    %select_n3A_258 = arith.select %eq3A_256, %jit3A_257, %jit3A_254 : i32
    %rem3A_259 = arith.remsi %get3A_226, %select_n3A_258 : i32
    %ne3A_260 = arith.constant 0 : i32
    %ne3A_261 = arith.cmpi ne, %rem3A_259, %ne3A_260 : i32
    %lt3A_262 = arith.constant 0 : i32
    %lt3A_263 = arith.cmpi slt, %rem3A_259, %lt3A_262 : i32
    %lt3A_264 = arith.constant 0 : i32
    %lt3A_265 = arith.cmpi slt, %select_n3A_258, %lt3A_264 : i32
    %ne3A_266 = arith.xori %lt3A_263, %lt3A_265 : i1
    %and3A_267 = arith.andi %ne3A_266, %ne3A_261 : i1
    %add3A_268 = arith.addi %rem3A_259, %select_n3A_258 : i32
    %select_n3A_269 = arith.select %and3A_267, %add3A_268, %rem3A_259 : i32
    %eq3A_270 = vector.broadcast %select_n3A_269 : i32 to vector<1x128xi32>
    %eq3A_271 = arith.cmpi eq, %iota3A, %eq3A_270 : vector<1x128xi32>
    %jit3A_272 = arith.constant 0.000000e+00 : f32
    %broadcast_in_dim3A_273 = vector.broadcast %jit3A_272 : f32 to vector<1x128xf32>
    %select_n3A_274 = arith.select %eq3A_271, %get3A_253, %broadcast_in_dim3A_273 : vector<1x128xi1>, vector<1x128xf32>
    %reduce_sum3A_275 = vector.shape_cast %select_n3A_274 : vector<1x128xf32> to vector<1x1x128xf32>
    %reduce_sum3A_276 = arith.constant dense<0.000000e+00> : vector<1xf32>
    %reduce_sum3A_277 = vector.multi_reduction <add>, %reduce_sum3A_275, %reduce_sum3A_276 [1, 2] : vector<1x1x128xf32> to vector<1xf32>
    %reduce_sum3A_278 = vector.shape_cast %reduce_sum3A_277 : vector<1xf32> to vector<1x1x1xf32>
    %reduce_sum3A_279 = vector.extract %reduce_sum3A_278[0, 0, 0] : f32 from vector<1x1x1xf32>
    %mul3A_280 = arith.constant 5.000000e+00 : f32
    %mul3A_281 = arith.mulf %mul3A_280, %reduce_sum3A_279 : f32
    %exp3A_282 = math.exp %mul3A_281 : f32
    %get3A_283 = arith.constant 0 : index
    %get3A_284 = arith.constant 0 : index
    %get3A_285 = arith.constant 0 : index
    %get3A_286 = vector.load %arg12[%get3A_283, %get3A_284, %get3A_285] : memref<1x8x256xf32, #tpu.memory_space<vmem>>, vector<1x8x256xf32>
    %get3A_287 = vector.shape_cast %get3A_286 : vector<1x8x256xf32> to vector<8x256xf32>
    %mul3A_288 = vector.broadcast %exp3A_282 : f32 to vector<8x256xf32>
    %mul3A_289 = arith.mulf %mul3A_288, %get3A_287 : vector<8x256xf32>
    %add3A_290 = arith.addf %add3A_221, %mul3A_289 : vector<8x256xf32>
    %add3A_291 = arith.addf %add3A_222, %exp3A_282 : f32
    %add3A_292 = arith.constant 4 : i32
    %add3A_293 = arith.addi %mul3A_2, %add3A_292 : i32
    %get3A_294 = arith.index_cast %add3A_293 : i32 to index
    %get3A_295 = memref.load %arg1[%get3A_294] : memref<256xi32, #tpu.memory_space<smem>>
    %jit3A_296 = arith.constant 128 : i32
    %div3A_297 = arith.divsi %get3A_295, %jit3A_296 : i32
    %sign3A_298 = arith.constant 0 : i32
    %sign3A_299 = arith.cmpi sgt, %get3A_295, %sign3A_298 : i32
    %sign3A_300 = arith.extui %sign3A_299 : i1 to i32
    %sign3A_301 = arith.constant 0 : i32
    %sign3A_302 = arith.cmpi slt, %get3A_295, %sign3A_301 : i32
    %sign3A_303 = arith.extui %sign3A_302 : i1 to i32
    %sign3A_304 = arith.subi %sign3A_300, %sign3A_303 : i32
    %sign3A_305 = arith.constant 0 : i32
    %sign3A_306 = arith.cmpi sgt, %jit3A_296, %sign3A_305 : i32
    %sign3A_307 = arith.extui %sign3A_306 : i1 to i32
    %sign3A_308 = arith.constant 0 : i32
    %sign3A_309 = arith.cmpi slt, %jit3A_296, %sign3A_308 : i32
    %sign3A_310 = arith.extui %sign3A_309 : i1 to i32
    %sign3A_311 = arith.subi %sign3A_307, %sign3A_310 : i32
    %ne3A_312 = arith.cmpi ne, %sign3A_304, %sign3A_311 : i32
    %rem3A_313 = arith.remsi %get3A_295, %jit3A_296 : i32
    %ne3A_314 = arith.constant 0 : i32
    %ne3A_315 = arith.cmpi ne, %rem3A_313, %ne3A_314 : i32
    %and3A_316 = arith.andi %ne3A_312, %ne3A_315 : i1
    %sub3A_317 = arith.constant 1 : i32
    %sub3A_318 = arith.subi %div3A_297, %sub3A_317 : i32
    %select_n3A_319 = arith.select %and3A_316, %sub3A_318, %div3A_297 : i32
    %get3A_320 = arith.index_cast %select_n3A_319 : i32 to index
    %get3A_321 = arith.constant 0 : index
    %get3A_322 = vector.load %arg3[%get3A_320, %get3A_321] : memref<128x128xf32, #tpu.memory_space<vmem>>, vector<1x128xf32>
    %jit3A_323 = arith.constant 128 : i32
    %eq3A_324 = arith.constant 0 : i32
    %eq3A_325 = arith.cmpi eq, %jit3A_323, %eq3A_324 : i32
    %jit3A_326 = arith.constant 1 : i32
    %select_n3A_327 = arith.select %eq3A_325, %jit3A_326, %jit3A_323 : i32
    %rem3A_328 = arith.remsi %get3A_295, %select_n3A_327 : i32
    %ne3A_329 = arith.constant 0 : i32
    %ne3A_330 = arith.cmpi ne, %rem3A_328, %ne3A_329 : i32
    %lt3A_331 = arith.constant 0 : i32
    %lt3A_332 = arith.cmpi slt, %rem3A_328, %lt3A_331 : i32
    %lt3A_333 = arith.constant 0 : i32
    %lt3A_334 = arith.cmpi slt, %select_n3A_327, %lt3A_333 : i32
    %ne3A_335 = arith.xori %lt3A_332, %lt3A_334 : i1
    %and3A_336 = arith.andi %ne3A_335, %ne3A_330 : i1
    %add3A_337 = arith.addi %rem3A_328, %select_n3A_327 : i32
    %select_n3A_338 = arith.select %and3A_336, %add3A_337, %rem3A_328 : i32
    %eq3A_339 = vector.broadcast %select_n3A_338 : i32 to vector<1x128xi32>
    %eq3A_340 = arith.cmpi eq, %iota3A, %eq3A_339 : vector<1x128xi32>
    %jit3A_341 = arith.constant 0.000000e+00 : f32
    %broadcast_in_dim3A_342 = vector.broadcast %jit3A_341 : f32 to vector<1x128xf32>
    %select_n3A_343 = arith.select %eq3A_340, %get3A_322, %broadcast_in_dim3A_342 : vector<1x128xi1>, vector<1x128xf32>
    %reduce_sum3A_344 = vector.shape_cast %select_n3A_343 : vector<1x128xf32> to vector<1x1x128xf32>
    %reduce_sum3A_345 = arith.constant dense<0.000000e+00> : vector<1xf32>
    %reduce_sum3A_346 = vector.multi_reduction <add>, %reduce_sum3A_344, %reduce_sum3A_345 [1, 2] : vector<1x1x128xf32> to vector<1xf32>
    %reduce_sum3A_347 = vector.shape_cast %reduce_sum3A_346 : vector<1xf32> to vector<1x1x1xf32>
    %reduce_sum3A_348 = vector.extract %reduce_sum3A_347[0, 0, 0] : f32 from vector<1x1x1xf32>
    %mul3A_349 = arith.constant 5.000000e+00 : f32
    %mul3A_350 = arith.mulf %mul3A_349, %reduce_sum3A_348 : f32
    %exp3A_351 = math.exp %mul3A_350 : f32
    %get3A_352 = arith.constant 0 : index
    %get3A_353 = arith.constant 0 : index
    %get3A_354 = arith.constant 0 : index
    %get3A_355 = vector.load %arg13[%get3A_352, %get3A_353, %get3A_354] : memref<1x8x256xf32, #tpu.memory_space<vmem>>, vector<1x8x256xf32>
    %get3A_356 = vector.shape_cast %get3A_355 : vector<1x8x256xf32> to vector<8x256xf32>
    %mul3A_357 = vector.broadcast %exp3A_351 : f32 to vector<8x256xf32>
    %mul3A_358 = arith.mulf %mul3A_357, %get3A_356 : vector<8x256xf32>
    %add3A_359 = arith.addf %add3A_290, %mul3A_358 : vector<8x256xf32>
    %add3A_360 = arith.addf %add3A_291, %exp3A_351 : f32
    %add3A_361 = arith.constant 5 : i32
    %add3A_362 = arith.addi %mul3A_2, %add3A_361 : i32
    %get3A_363 = arith.index_cast %add3A_362 : i32 to index
    %get3A_364 = memref.load %arg1[%get3A_363] : memref<256xi32, #tpu.memory_space<smem>>
    %jit3A_365 = arith.constant 128 : i32
    %div3A_366 = arith.divsi %get3A_364, %jit3A_365 : i32
    %sign3A_367 = arith.constant 0 : i32
    %sign3A_368 = arith.cmpi sgt, %get3A_364, %sign3A_367 : i32
    %sign3A_369 = arith.extui %sign3A_368 : i1 to i32
    %sign3A_370 = arith.constant 0 : i32
    %sign3A_371 = arith.cmpi slt, %get3A_364, %sign3A_370 : i32
    %sign3A_372 = arith.extui %sign3A_371 : i1 to i32
    %sign3A_373 = arith.subi %sign3A_369, %sign3A_372 : i32
    %sign3A_374 = arith.constant 0 : i32
    %sign3A_375 = arith.cmpi sgt, %jit3A_365, %sign3A_374 : i32
    %sign3A_376 = arith.extui %sign3A_375 : i1 to i32
    %sign3A_377 = arith.constant 0 : i32
    %sign3A_378 = arith.cmpi slt, %jit3A_365, %sign3A_377 : i32
    %sign3A_379 = arith.extui %sign3A_378 : i1 to i32
    %sign3A_380 = arith.subi %sign3A_376, %sign3A_379 : i32
    %ne3A_381 = arith.cmpi ne, %sign3A_373, %sign3A_380 : i32
    %rem3A_382 = arith.remsi %get3A_364, %jit3A_365 : i32
    %ne3A_383 = arith.constant 0 : i32
    %ne3A_384 = arith.cmpi ne, %rem3A_382, %ne3A_383 : i32
    %and3A_385 = arith.andi %ne3A_381, %ne3A_384 : i1
    %sub3A_386 = arith.constant 1 : i32
    %sub3A_387 = arith.subi %div3A_366, %sub3A_386 : i32
    %select_n3A_388 = arith.select %and3A_385, %sub3A_387, %div3A_366 : i32
    %get3A_389 = arith.index_cast %select_n3A_388 : i32 to index
    %get3A_390 = arith.constant 0 : index
    %get3A_391 = vector.load %arg3[%get3A_389, %get3A_390] : memref<128x128xf32, #tpu.memory_space<vmem>>, vector<1x128xf32>
    %jit3A_392 = arith.constant 128 : i32
    %eq3A_393 = arith.constant 0 : i32
    %eq3A_394 = arith.cmpi eq, %jit3A_392, %eq3A_393 : i32
    %jit3A_395 = arith.constant 1 : i32
    %select_n3A_396 = arith.select %eq3A_394, %jit3A_395, %jit3A_392 : i32
    %rem3A_397 = arith.remsi %get3A_364, %select_n3A_396 : i32
    %ne3A_398 = arith.constant 0 : i32
    %ne3A_399 = arith.cmpi ne, %rem3A_397, %ne3A_398 : i32
    %lt3A_400 = arith.constant 0 : i32
    %lt3A_401 = arith.cmpi slt, %rem3A_397, %lt3A_400 : i32
    %lt3A_402 = arith.constant 0 : i32
    %lt3A_403 = arith.cmpi slt, %select_n3A_396, %lt3A_402 : i32
    %ne3A_404 = arith.xori %lt3A_401, %lt3A_403 : i1
    %and3A_405 = arith.andi %ne3A_404, %ne3A_399 : i1
    %add3A_406 = arith.addi %rem3A_397, %select_n3A_396 : i32
    %select_n3A_407 = arith.select %and3A_405, %add3A_406, %rem3A_397 : i32
    %eq3A_408 = vector.broadcast %select_n3A_407 : i32 to vector<1x128xi32>
    %eq3A_409 = arith.cmpi eq, %iota3A, %eq3A_408 : vector<1x128xi32>
    %jit3A_410 = arith.constant 0.000000e+00 : f32
    %broadcast_in_dim3A_411 = vector.broadcast %jit3A_410 : f32 to vector<1x128xf32>
    %select_n3A_412 = arith.select %eq3A_409, %get3A_391, %broadcast_in_dim3A_411 : vector<1x128xi1>, vector<1x128xf32>
    %reduce_sum3A_413 = vector.shape_cast %select_n3A_412 : vector<1x128xf32> to vector<1x1x128xf32>
    %reduce_sum3A_414 = arith.constant dense<0.000000e+00> : vector<1xf32>
    %reduce_sum3A_415 = vector.multi_reduction <add>, %reduce_sum3A_413, %reduce_sum3A_414 [1, 2] : vector<1x1x128xf32> to vector<1xf32>
    %reduce_sum3A_416 = vector.shape_cast %reduce_sum3A_415 : vector<1xf32> to vector<1x1x1xf32>
    %reduce_sum3A_417 = vector.extract %reduce_sum3A_416[0, 0, 0] : f32 from vector<1x1x1xf32>
    %mul3A_418 = arith.constant 5.000000e+00 : f32
    %mul3A_419 = arith.mulf %mul3A_418, %reduce_sum3A_417 : f32
    %exp3A_420 = math.exp %mul3A_419 : f32
    %get3A_421 = arith.constant 0 : index
    %get3A_422 = arith.constant 0 : index
    %get3A_423 = arith.constant 0 : index
    %get3A_424 = vector.load %arg14[%get3A_421, %get3A_422, %get3A_423] : memref<1x8x256xf32, #tpu.memory_space<vmem>>, vector<1x8x256xf32>
    %get3A_425 = vector.shape_cast %get3A_424 : vector<1x8x256xf32> to vector<8x256xf32>
    %mul3A_426 = vector.broadcast %exp3A_420 : f32 to vector<8x256xf32>
    %mul3A_427 = arith.mulf %mul3A_426, %get3A_425 : vector<8x256xf32>
    %add3A_428 = arith.addf %add3A_359, %mul3A_427 : vector<8x256xf32>
    %add3A_429 = arith.addf %add3A_360, %exp3A_420 : f32
    %add3A_430 = arith.constant 6 : i32
    %add3A_431 = arith.addi %mul3A_2, %add3A_430 : i32
    %get3A_432 = arith.index_cast %add3A_431 : i32 to index
    %get3A_433 = memref.load %arg1[%get3A_432] : memref<256xi32, #tpu.memory_space<smem>>
    %jit3A_434 = arith.constant 128 : i32
    %div3A_435 = arith.divsi %get3A_433, %jit3A_434 : i32
    %sign3A_436 = arith.constant 0 : i32
    %sign3A_437 = arith.cmpi sgt, %get3A_433, %sign3A_436 : i32
    %sign3A_438 = arith.extui %sign3A_437 : i1 to i32
    %sign3A_439 = arith.constant 0 : i32
    %sign3A_440 = arith.cmpi slt, %get3A_433, %sign3A_439 : i32
    %sign3A_441 = arith.extui %sign3A_440 : i1 to i32
    %sign3A_442 = arith.subi %sign3A_438, %sign3A_441 : i32
    %sign3A_443 = arith.constant 0 : i32
    %sign3A_444 = arith.cmpi sgt, %jit3A_434, %sign3A_443 : i32
    %sign3A_445 = arith.extui %sign3A_444 : i1 to i32
    %sign3A_446 = arith.constant 0 : i32
    %sign3A_447 = arith.cmpi slt, %jit3A_434, %sign3A_446 : i32
    %sign3A_448 = arith.extui %sign3A_447 : i1 to i32
    %sign3A_449 = arith.subi %sign3A_445, %sign3A_448 : i32
    %ne3A_450 = arith.cmpi ne, %sign3A_442, %sign3A_449 : i32
    %rem3A_451 = arith.remsi %get3A_433, %jit3A_434 : i32
    %ne3A_452 = arith.constant 0 : i32
    %ne3A_453 = arith.cmpi ne, %rem3A_451, %ne3A_452 : i32
    %and3A_454 = arith.andi %ne3A_450, %ne3A_453 : i1
    %sub3A_455 = arith.constant 1 : i32
    %sub3A_456 = arith.subi %div3A_435, %sub3A_455 : i32
    %select_n3A_457 = arith.select %and3A_454, %sub3A_456, %div3A_435 : i32
    %get3A_458 = arith.index_cast %select_n3A_457 : i32 to index
    %get3A_459 = arith.constant 0 : index
    %get3A_460 = vector.load %arg3[%get3A_458, %get3A_459] : memref<128x128xf32, #tpu.memory_space<vmem>>, vector<1x128xf32>
    %jit3A_461 = arith.constant 128 : i32
    %eq3A_462 = arith.constant 0 : i32
    %eq3A_463 = arith.cmpi eq, %jit3A_461, %eq3A_462 : i32
    %jit3A_464 = arith.constant 1 : i32
    %select_n3A_465 = arith.select %eq3A_463, %jit3A_464, %jit3A_461 : i32
    %rem3A_466 = arith.remsi %get3A_433, %select_n3A_465 : i32
    %ne3A_467 = arith.constant 0 : i32
    %ne3A_468 = arith.cmpi ne, %rem3A_466, %ne3A_467 : i32
    %lt3A_469 = arith.constant 0 : i32
    %lt3A_470 = arith.cmpi slt, %rem3A_466, %lt3A_469 : i32
    %lt3A_471 = arith.constant 0 : i32
    %lt3A_472 = arith.cmpi slt, %select_n3A_465, %lt3A_471 : i32
    %ne3A_473 = arith.xori %lt3A_470, %lt3A_472 : i1
    %and3A_474 = arith.andi %ne3A_473, %ne3A_468 : i1
    %add3A_475 = arith.addi %rem3A_466, %select_n3A_465 : i32
    %select_n3A_476 = arith.select %and3A_474, %add3A_475, %rem3A_466 : i32
    %eq3A_477 = vector.broadcast %select_n3A_476 : i32 to vector<1x128xi32>
    %eq3A_478 = arith.cmpi eq, %iota3A, %eq3A_477 : vector<1x128xi32>
    %jit3A_479 = arith.constant 0.000000e+00 : f32
    %broadcast_in_dim3A_480 = vector.broadcast %jit3A_479 : f32 to vector<1x128xf32>
    %select_n3A_481 = arith.select %eq3A_478, %get3A_460, %broadcast_in_dim3A_480 : vector<1x128xi1>, vector<1x128xf32>
    %reduce_sum3A_482 = vector.shape_cast %select_n3A_481 : vector<1x128xf32> to vector<1x1x128xf32>
    %reduce_sum3A_483 = arith.constant dense<0.000000e+00> : vector<1xf32>
    %reduce_sum3A_484 = vector.multi_reduction <add>, %reduce_sum3A_482, %reduce_sum3A_483 [1, 2] : vector<1x1x128xf32> to vector<1xf32>
    %reduce_sum3A_485 = vector.shape_cast %reduce_sum3A_484 : vector<1xf32> to vector<1x1x1xf32>
    %reduce_sum3A_486 = vector.extract %reduce_sum3A_485[0, 0, 0] : f32 from vector<1x1x1xf32>
    %mul3A_487 = arith.constant 5.000000e+00 : f32
    %mul3A_488 = arith.mulf %mul3A_487, %reduce_sum3A_486 : f32
    %exp3A_489 = math.exp %mul3A_488 : f32
    %get3A_490 = arith.constant 0 : index
    %get3A_491 = arith.constant 0 : index
    %get3A_492 = arith.constant 0 : index
    %get3A_493 = vector.load %arg15[%get3A_490, %get3A_491, %get3A_492] : memref<1x8x256xf32, #tpu.memory_space<vmem>>, vector<1x8x256xf32>
    %get3A_494 = vector.shape_cast %get3A_493 : vector<1x8x256xf32> to vector<8x256xf32>
    %mul3A_495 = vector.broadcast %exp3A_489 : f32 to vector<8x256xf32>
    %mul3A_496 = arith.mulf %mul3A_495, %get3A_494 : vector<8x256xf32>
    %add3A_497 = arith.addf %add3A_428, %mul3A_496 : vector<8x256xf32>
    %add3A_498 = arith.addf %add3A_429, %exp3A_489 : f32
    %add3A_499 = arith.constant 7 : i32
    %add3A_500 = arith.addi %mul3A_2, %add3A_499 : i32
    %get3A_501 = arith.index_cast %add3A_500 : i32 to index
    %get3A_502 = memref.load %arg1[%get3A_501] : memref<256xi32, #tpu.memory_space<smem>>
    %jit3A_503 = arith.constant 128 : i32
    %div3A_504 = arith.divsi %get3A_502, %jit3A_503 : i32
    %sign3A_505 = arith.constant 0 : i32
    %sign3A_506 = arith.cmpi sgt, %get3A_502, %sign3A_505 : i32
    %sign3A_507 = arith.extui %sign3A_506 : i1 to i32
    %sign3A_508 = arith.constant 0 : i32
    %sign3A_509 = arith.cmpi slt, %get3A_502, %sign3A_508 : i32
    %sign3A_510 = arith.extui %sign3A_509 : i1 to i32
    %sign3A_511 = arith.subi %sign3A_507, %sign3A_510 : i32
    %sign3A_512 = arith.constant 0 : i32
    %sign3A_513 = arith.cmpi sgt, %jit3A_503, %sign3A_512 : i32
    %sign3A_514 = arith.extui %sign3A_513 : i1 to i32
    %sign3A_515 = arith.constant 0 : i32
    %sign3A_516 = arith.cmpi slt, %jit3A_503, %sign3A_515 : i32
    %sign3A_517 = arith.extui %sign3A_516 : i1 to i32
    %sign3A_518 = arith.subi %sign3A_514, %sign3A_517 : i32
    %ne3A_519 = arith.cmpi ne, %sign3A_511, %sign3A_518 : i32
    %rem3A_520 = arith.remsi %get3A_502, %jit3A_503 : i32
    %ne3A_521 = arith.constant 0 : i32
    %ne3A_522 = arith.cmpi ne, %rem3A_520, %ne3A_521 : i32
    %and3A_523 = arith.andi %ne3A_519, %ne3A_522 : i1
    %sub3A_524 = arith.constant 1 : i32
    %sub3A_525 = arith.subi %div3A_504, %sub3A_524 : i32
    %select_n3A_526 = arith.select %and3A_523, %sub3A_525, %div3A_504 : i32
    %get3A_527 = arith.index_cast %select_n3A_526 : i32 to index
    %get3A_528 = arith.constant 0 : index
    %get3A_529 = vector.load %arg3[%get3A_527, %get3A_528] : memref<128x128xf32, #tpu.memory_space<vmem>>, vector<1x128xf32>
    %jit3A_530 = arith.constant 128 : i32
    %eq3A_531 = arith.constant 0 : i32
    %eq3A_532 = arith.cmpi eq, %jit3A_530, %eq3A_531 : i32
    %jit3A_533 = arith.constant 1 : i32
    %select_n3A_534 = arith.select %eq3A_532, %jit3A_533, %jit3A_530 : i32
    %rem3A_535 = arith.remsi %get3A_502, %select_n3A_534 : i32
    %ne3A_536 = arith.constant 0 : i32
    %ne3A_537 = arith.cmpi ne, %rem3A_535, %ne3A_536 : i32
    %lt3A_538 = arith.constant 0 : i32
    %lt3A_539 = arith.cmpi slt, %rem3A_535, %lt3A_538 : i32
    %lt3A_540 = arith.constant 0 : i32
    %lt3A_541 = arith.cmpi slt, %select_n3A_534, %lt3A_540 : i32
    %ne3A_542 = arith.xori %lt3A_539, %lt3A_541 : i1
    %and3A_543 = arith.andi %ne3A_542, %ne3A_537 : i1
    %add3A_544 = arith.addi %rem3A_535, %select_n3A_534 : i32
    %select_n3A_545 = arith.select %and3A_543, %add3A_544, %rem3A_535 : i32
    %eq3A_546 = vector.broadcast %select_n3A_545 : i32 to vector<1x128xi32>
    %eq3A_547 = arith.cmpi eq, %iota3A, %eq3A_546 : vector<1x128xi32>
    %jit3A_548 = arith.constant 0.000000e+00 : f32
    %broadcast_in_dim3A_549 = vector.broadcast %jit3A_548 : f32 to vector<1x128xf32>
    %select_n3A_550 = arith.select %eq3A_547, %get3A_529, %broadcast_in_dim3A_549 : vector<1x128xi1>, vector<1x128xf32>
    %reduce_sum3A_551 = vector.shape_cast %select_n3A_550 : vector<1x128xf32> to vector<1x1x128xf32>
    %reduce_sum3A_552 = arith.constant dense<0.000000e+00> : vector<1xf32>
    %reduce_sum3A_553 = vector.multi_reduction <add>, %reduce_sum3A_551, %reduce_sum3A_552 [1, 2] : vector<1x1x128xf32> to vector<1xf32>
    %reduce_sum3A_554 = vector.shape_cast %reduce_sum3A_553 : vector<1xf32> to vector<1x1x1xf32>
    %reduce_sum3A_555 = vector.extract %reduce_sum3A_554[0, 0, 0] : f32 from vector<1x1x1xf32>
    %mul3A_556 = arith.constant 5.000000e+00 : f32
    %mul3A_557 = arith.mulf %mul3A_556, %reduce_sum3A_555 : f32
    %exp3A_558 = math.exp %mul3A_557 : f32
    %get3A_559 = arith.constant 0 : index
    %get3A_560 = arith.constant 0 : index
    %get3A_561 = arith.constant 0 : index
    %get3A_562 = vector.load %arg16[%get3A_559, %get3A_560, %get3A_561] : memref<1x8x256xf32, #tpu.memory_space<vmem>>, vector<1x8x256xf32>
    %get3A_563 = vector.shape_cast %get3A_562 : vector<1x8x256xf32> to vector<8x256xf32>
    %mul3A_564 = vector.broadcast %exp3A_558 : f32 to vector<8x256xf32>
    %mul3A_565 = arith.mulf %mul3A_564, %get3A_563 : vector<8x256xf32>
    %add3A_566 = arith.addf %add3A_497, %mul3A_565 : vector<8x256xf32>
    %add3A_567 = arith.addf %add3A_498, %exp3A_558 : f32
    %add3A_568 = arith.constant 8 : i32
    %add3A_569 = arith.addi %mul3A_2, %add3A_568 : i32
    %get3A_570 = arith.index_cast %add3A_569 : i32 to index
    %get3A_571 = memref.load %arg1[%get3A_570] : memref<256xi32, #tpu.memory_space<smem>>
    %jit3A_572 = arith.constant 128 : i32
    %div3A_573 = arith.divsi %get3A_571, %jit3A_572 : i32
    %sign3A_574 = arith.constant 0 : i32
    %sign3A_575 = arith.cmpi sgt, %get3A_571, %sign3A_574 : i32
    %sign3A_576 = arith.extui %sign3A_575 : i1 to i32
    %sign3A_577 = arith.constant 0 : i32
    %sign3A_578 = arith.cmpi slt, %get3A_571, %sign3A_577 : i32
    %sign3A_579 = arith.extui %sign3A_578 : i1 to i32
    %sign3A_580 = arith.subi %sign3A_576, %sign3A_579 : i32
    %sign3A_581 = arith.constant 0 : i32
    %sign3A_582 = arith.cmpi sgt, %jit3A_572, %sign3A_581 : i32
    %sign3A_583 = arith.extui %sign3A_582 : i1 to i32
    %sign3A_584 = arith.constant 0 : i32
    %sign3A_585 = arith.cmpi slt, %jit3A_572, %sign3A_584 : i32
    %sign3A_586 = arith.extui %sign3A_585 : i1 to i32
    %sign3A_587 = arith.subi %sign3A_583, %sign3A_586 : i32
    %ne3A_588 = arith.cmpi ne, %sign3A_580, %sign3A_587 : i32
    %rem3A_589 = arith.remsi %get3A_571, %jit3A_572 : i32
    %ne3A_590 = arith.constant 0 : i32
    %ne3A_591 = arith.cmpi ne, %rem3A_589, %ne3A_590 : i32
    %and3A_592 = arith.andi %ne3A_588, %ne3A_591 : i1
    %sub3A_593 = arith.constant 1 : i32
    %sub3A_594 = arith.subi %div3A_573, %sub3A_593 : i32
    %select_n3A_595 = arith.select %and3A_592, %sub3A_594, %div3A_573 : i32
    %get3A_596 = arith.index_cast %select_n3A_595 : i32 to index
    %get3A_597 = arith.constant 0 : index
    %get3A_598 = vector.load %arg3[%get3A_596, %get3A_597] : memref<128x128xf32, #tpu.memory_space<vmem>>, vector<1x128xf32>
    %jit3A_599 = arith.constant 128 : i32
    %eq3A_600 = arith.constant 0 : i32
    %eq3A_601 = arith.cmpi eq, %jit3A_599, %eq3A_600 : i32
    %jit3A_602 = arith.constant 1 : i32
    %select_n3A_603 = arith.select %eq3A_601, %jit3A_602, %jit3A_599 : i32
    %rem3A_604 = arith.remsi %get3A_571, %select_n3A_603 : i32
    %ne3A_605 = arith.constant 0 : i32
    %ne3A_606 = arith.cmpi ne, %rem3A_604, %ne3A_605 : i32
    %lt3A_607 = arith.constant 0 : i32
    %lt3A_608 = arith.cmpi slt, %rem3A_604, %lt3A_607 : i32
    %lt3A_609 = arith.constant 0 : i32
    %lt3A_610 = arith.cmpi slt, %select_n3A_603, %lt3A_609 : i32
    %ne3A_611 = arith.xori %lt3A_608, %lt3A_610 : i1
    %and3A_612 = arith.andi %ne3A_611, %ne3A_606 : i1
    %add3A_613 = arith.addi %rem3A_604, %select_n3A_603 : i32
    %select_n3A_614 = arith.select %and3A_612, %add3A_613, %rem3A_604 : i32
    %eq3A_615 = vector.broadcast %select_n3A_614 : i32 to vector<1x128xi32>
    %eq3A_616 = arith.cmpi eq, %iota3A, %eq3A_615 : vector<1x128xi32>
    %jit3A_617 = arith.constant 0.000000e+00 : f32
    %broadcast_in_dim3A_618 = vector.broadcast %jit3A_617 : f32 to vector<1x128xf32>
    %select_n3A_619 = arith.select %eq3A_616, %get3A_598, %broadcast_in_dim3A_618 : vector<1x128xi1>, vector<1x128xf32>
    %reduce_sum3A_620 = vector.shape_cast %select_n3A_619 : vector<1x128xf32> to vector<1x1x128xf32>
    %reduce_sum3A_621 = arith.constant dense<0.000000e+00> : vector<1xf32>
    %reduce_sum3A_622 = vector.multi_reduction <add>, %reduce_sum3A_620, %reduce_sum3A_621 [1, 2] : vector<1x1x128xf32> to vector<1xf32>
    %reduce_sum3A_623 = vector.shape_cast %reduce_sum3A_622 : vector<1xf32> to vector<1x1x1xf32>
    %reduce_sum3A_624 = vector.extract %reduce_sum3A_623[0, 0, 0] : f32 from vector<1x1x1xf32>
    %mul3A_625 = arith.constant 5.000000e+00 : f32
    %mul3A_626 = arith.mulf %mul3A_625, %reduce_sum3A_624 : f32
    %exp3A_627 = math.exp %mul3A_626 : f32
    %get3A_628 = arith.constant 0 : index
    %get3A_629 = arith.constant 0 : index
    %get3A_630 = arith.constant 0 : index
    %get3A_631 = vector.load %arg17[%get3A_628, %get3A_629, %get3A_630] : memref<1x8x256xf32, #tpu.memory_space<vmem>>, vector<1x8x256xf32>
    %get3A_632 = vector.shape_cast %get3A_631 : vector<1x8x256xf32> to vector<8x256xf32>
    %mul3A_633 = vector.broadcast %exp3A_627 : f32 to vector<8x256xf32>
    %mul3A_634 = arith.mulf %mul3A_633, %get3A_632 : vector<8x256xf32>
    %add3A_635 = arith.addf %add3A_566, %mul3A_634 : vector<8x256xf32>
    %add3A_636 = arith.addf %add3A_567, %exp3A_627 : f32
    %add3A_637 = arith.constant 9 : i32
    %add3A_638 = arith.addi %mul3A_2, %add3A_637 : i32
    %get3A_639 = arith.index_cast %add3A_638 : i32 to index
    %get3A_640 = memref.load %arg1[%get3A_639] : memref<256xi32, #tpu.memory_space<smem>>
    %jit3A_641 = arith.constant 128 : i32
    %div3A_642 = arith.divsi %get3A_640, %jit3A_641 : i32
    %sign3A_643 = arith.constant 0 : i32
    %sign3A_644 = arith.cmpi sgt, %get3A_640, %sign3A_643 : i32
    %sign3A_645 = arith.extui %sign3A_644 : i1 to i32
    %sign3A_646 = arith.constant 0 : i32
    %sign3A_647 = arith.cmpi slt, %get3A_640, %sign3A_646 : i32
    %sign3A_648 = arith.extui %sign3A_647 : i1 to i32
    %sign3A_649 = arith.subi %sign3A_645, %sign3A_648 : i32
    %sign3A_650 = arith.constant 0 : i32
    %sign3A_651 = arith.cmpi sgt, %jit3A_641, %sign3A_650 : i32
    %sign3A_652 = arith.extui %sign3A_651 : i1 to i32
    %sign3A_653 = arith.constant 0 : i32
    %sign3A_654 = arith.cmpi slt, %jit3A_641, %sign3A_653 : i32
    %sign3A_655 = arith.extui %sign3A_654 : i1 to i32
    %sign3A_656 = arith.subi %sign3A_652, %sign3A_655 : i32
    %ne3A_657 = arith.cmpi ne, %sign3A_649, %sign3A_656 : i32
    %rem3A_658 = arith.remsi %get3A_640, %jit3A_641 : i32
    %ne3A_659 = arith.constant 0 : i32
    %ne3A_660 = arith.cmpi ne, %rem3A_658, %ne3A_659 : i32
    %and3A_661 = arith.andi %ne3A_657, %ne3A_660 : i1
    %sub3A_662 = arith.constant 1 : i32
    %sub3A_663 = arith.subi %div3A_642, %sub3A_662 : i32
    %select_n3A_664 = arith.select %and3A_661, %sub3A_663, %div3A_642 : i32
    %get3A_665 = arith.index_cast %select_n3A_664 : i32 to index
    %get3A_666 = arith.constant 0 : index
    %get3A_667 = vector.load %arg3[%get3A_665, %get3A_666] : memref<128x128xf32, #tpu.memory_space<vmem>>, vector<1x128xf32>
    %jit3A_668 = arith.constant 128 : i32
    %eq3A_669 = arith.constant 0 : i32
    %eq3A_670 = arith.cmpi eq, %jit3A_668, %eq3A_669 : i32
    %jit3A_671 = arith.constant 1 : i32
    %select_n3A_672 = arith.select %eq3A_670, %jit3A_671, %jit3A_668 : i32
    %rem3A_673 = arith.remsi %get3A_640, %select_n3A_672 : i32
    %ne3A_674 = arith.constant 0 : i32
    %ne3A_675 = arith.cmpi ne, %rem3A_673, %ne3A_674 : i32
    %lt3A_676 = arith.constant 0 : i32
    %lt3A_677 = arith.cmpi slt, %rem3A_673, %lt3A_676 : i32
    %lt3A_678 = arith.constant 0 : i32
    %lt3A_679 = arith.cmpi slt, %select_n3A_672, %lt3A_678 : i32
    %ne3A_680 = arith.xori %lt3A_677, %lt3A_679 : i1
    %and3A_681 = arith.andi %ne3A_680, %ne3A_675 : i1
    %add3A_682 = arith.addi %rem3A_673, %select_n3A_672 : i32
    %select_n3A_683 = arith.select %and3A_681, %add3A_682, %rem3A_673 : i32
    %eq3A_684 = vector.broadcast %select_n3A_683 : i32 to vector<1x128xi32>
    %eq3A_685 = arith.cmpi eq, %iota3A, %eq3A_684 : vector<1x128xi32>
    %jit3A_686 = arith.constant 0.000000e+00 : f32
    %broadcast_in_dim3A_687 = vector.broadcast %jit3A_686 : f32 to vector<1x128xf32>
    %select_n3A_688 = arith.select %eq3A_685, %get3A_667, %broadcast_in_dim3A_687 : vector<1x128xi1>, vector<1x128xf32>
    %reduce_sum3A_689 = vector.shape_cast %select_n3A_688 : vector<1x128xf32> to vector<1x1x128xf32>
    %reduce_sum3A_690 = arith.constant dense<0.000000e+00> : vector<1xf32>
    %reduce_sum3A_691 = vector.multi_reduction <add>, %reduce_sum3A_689, %reduce_sum3A_690 [1, 2] : vector<1x1x128xf32> to vector<1xf32>
    %reduce_sum3A_692 = vector.shape_cast %reduce_sum3A_691 : vector<1xf32> to vector<1x1x1xf32>
    %reduce_sum3A_693 = vector.extract %reduce_sum3A_692[0, 0, 0] : f32 from vector<1x1x1xf32>
    %mul3A_694 = arith.constant 5.000000e+00 : f32
    %mul3A_695 = arith.mulf %mul3A_694, %reduce_sum3A_693 : f32
    %exp3A_696 = math.exp %mul3A_695 : f32
    %get3A_697 = arith.constant 0 : index
    %get3A_698 = arith.constant 0 : index
    %get3A_699 = arith.constant 0 : index
    %get3A_700 = vector.load %arg18[%get3A_697, %get3A_698, %get3A_699] : memref<1x8x256xf32, #tpu.memory_space<vmem>>, vector<1x8x256xf32>
    %get3A_701 = vector.shape_cast %get3A_700 : vector<1x8x256xf32> to vector<8x256xf32>
    %mul3A_702 = vector.broadcast %exp3A_696 : f32 to vector<8x256xf32>
    %mul3A_703 = arith.mulf %mul3A_702, %get3A_701 : vector<8x256xf32>
    %add3A_704 = arith.addf %add3A_635, %mul3A_703 : vector<8x256xf32>
    %add3A_705 = arith.addf %add3A_636, %exp3A_696 : f32
    %add3A_706 = arith.constant 10 : i32
    %add3A_707 = arith.addi %mul3A_2, %add3A_706 : i32
    %get3A_708 = arith.index_cast %add3A_707 : i32 to index
    %get3A_709 = memref.load %arg1[%get3A_708] : memref<256xi32, #tpu.memory_space<smem>>
    %jit3A_710 = arith.constant 128 : i32
    %div3A_711 = arith.divsi %get3A_709, %jit3A_710 : i32
    %sign3A_712 = arith.constant 0 : i32
    %sign3A_713 = arith.cmpi sgt, %get3A_709, %sign3A_712 : i32
    %sign3A_714 = arith.extui %sign3A_713 : i1 to i32
    %sign3A_715 = arith.constant 0 : i32
    %sign3A_716 = arith.cmpi slt, %get3A_709, %sign3A_715 : i32
    %sign3A_717 = arith.extui %sign3A_716 : i1 to i32
    %sign3A_718 = arith.subi %sign3A_714, %sign3A_717 : i32
    %sign3A_719 = arith.constant 0 : i32
    %sign3A_720 = arith.cmpi sgt, %jit3A_710, %sign3A_719 : i32
    %sign3A_721 = arith.extui %sign3A_720 : i1 to i32
    %sign3A_722 = arith.constant 0 : i32
    %sign3A_723 = arith.cmpi slt, %jit3A_710, %sign3A_722 : i32
    %sign3A_724 = arith.extui %sign3A_723 : i1 to i32
    %sign3A_725 = arith.subi %sign3A_721, %sign3A_724 : i32
    %ne3A_726 = arith.cmpi ne, %sign3A_718, %sign3A_725 : i32
    %rem3A_727 = arith.remsi %get3A_709, %jit3A_710 : i32
    %ne3A_728 = arith.constant 0 : i32
    %ne3A_729 = arith.cmpi ne, %rem3A_727, %ne3A_728 : i32
    %and3A_730 = arith.andi %ne3A_726, %ne3A_729 : i1
    %sub3A_731 = arith.constant 1 : i32
    %sub3A_732 = arith.subi %div3A_711, %sub3A_731 : i32
    %select_n3A_733 = arith.select %and3A_730, %sub3A_732, %div3A_711 : i32
    %get3A_734 = arith.index_cast %select_n3A_733 : i32 to index
    %get3A_735 = arith.constant 0 : index
    %get3A_736 = vector.load %arg3[%get3A_734, %get3A_735] : memref<128x128xf32, #tpu.memory_space<vmem>>, vector<1x128xf32>
    %jit3A_737 = arith.constant 128 : i32
    %eq3A_738 = arith.constant 0 : i32
    %eq3A_739 = arith.cmpi eq, %jit3A_737, %eq3A_738 : i32
    %jit3A_740 = arith.constant 1 : i32
    %select_n3A_741 = arith.select %eq3A_739, %jit3A_740, %jit3A_737 : i32
    %rem3A_742 = arith.remsi %get3A_709, %select_n3A_741 : i32
    %ne3A_743 = arith.constant 0 : i32
    %ne3A_744 = arith.cmpi ne, %rem3A_742, %ne3A_743 : i32
    %lt3A_745 = arith.constant 0 : i32
    %lt3A_746 = arith.cmpi slt, %rem3A_742, %lt3A_745 : i32
    %lt3A_747 = arith.constant 0 : i32
    %lt3A_748 = arith.cmpi slt, %select_n3A_741, %lt3A_747 : i32
    %ne3A_749 = arith.xori %lt3A_746, %lt3A_748 : i1
    %and3A_750 = arith.andi %ne3A_749, %ne3A_744 : i1
    %add3A_751 = arith.addi %rem3A_742, %select_n3A_741 : i32
    %select_n3A_752 = arith.select %and3A_750, %add3A_751, %rem3A_742 : i32
    %eq3A_753 = vector.broadcast %select_n3A_752 : i32 to vector<1x128xi32>
    %eq3A_754 = arith.cmpi eq, %iota3A, %eq3A_753 : vector<1x128xi32>
    %jit3A_755 = arith.constant 0.000000e+00 : f32
    %broadcast_in_dim3A_756 = vector.broadcast %jit3A_755 : f32 to vector<1x128xf32>
    %select_n3A_757 = arith.select %eq3A_754, %get3A_736, %broadcast_in_dim3A_756 : vector<1x128xi1>, vector<1x128xf32>
    %reduce_sum3A_758 = vector.shape_cast %select_n3A_757 : vector<1x128xf32> to vector<1x1x128xf32>
    %reduce_sum3A_759 = arith.constant dense<0.000000e+00> : vector<1xf32>
    %reduce_sum3A_760 = vector.multi_reduction <add>, %reduce_sum3A_758, %reduce_sum3A_759 [1, 2] : vector<1x1x128xf32> to vector<1xf32>
    %reduce_sum3A_761 = vector.shape_cast %reduce_sum3A_760 : vector<1xf32> to vector<1x1x1xf32>
    %reduce_sum3A_762 = vector.extract %reduce_sum3A_761[0, 0, 0] : f32 from vector<1x1x1xf32>
    %mul3A_763 = arith.constant 5.000000e+00 : f32
    %mul3A_764 = arith.mulf %mul3A_763, %reduce_sum3A_762 : f32
    %exp3A_765 = math.exp %mul3A_764 : f32
    %get3A_766 = arith.constant 0 : index
    %get3A_767 = arith.constant 0 : index
    %get3A_768 = arith.constant 0 : index
    %get3A_769 = vector.load %arg19[%get3A_766, %get3A_767, %get3A_768] : memref<1x8x256xf32, #tpu.memory_space<vmem>>, vector<1x8x256xf32>
    %get3A_770 = vector.shape_cast %get3A_769 : vector<1x8x256xf32> to vector<8x256xf32>
    %mul3A_771 = vector.broadcast %exp3A_765 : f32 to vector<8x256xf32>
    %mul3A_772 = arith.mulf %mul3A_771, %get3A_770 : vector<8x256xf32>
    %add3A_773 = arith.addf %add3A_704, %mul3A_772 : vector<8x256xf32>
    %add3A_774 = arith.addf %add3A_705, %exp3A_765 : f32
    %add3A_775 = arith.constant 11 : i32
    %add3A_776 = arith.addi %mul3A_2, %add3A_775 : i32
    %get3A_777 = arith.index_cast %add3A_776 : i32 to index
    %get3A_778 = memref.load %arg1[%get3A_777] : memref<256xi32, #tpu.memory_space<smem>>
    %jit3A_779 = arith.constant 128 : i32
    %div3A_780 = arith.divsi %get3A_778, %jit3A_779 : i32
    %sign3A_781 = arith.constant 0 : i32
    %sign3A_782 = arith.cmpi sgt, %get3A_778, %sign3A_781 : i32
    %sign3A_783 = arith.extui %sign3A_782 : i1 to i32
    %sign3A_784 = arith.constant 0 : i32
    %sign3A_785 = arith.cmpi slt, %get3A_778, %sign3A_784 : i32
    %sign3A_786 = arith.extui %sign3A_785 : i1 to i32
    %sign3A_787 = arith.subi %sign3A_783, %sign3A_786 : i32
    %sign3A_788 = arith.constant 0 : i32
    %sign3A_789 = arith.cmpi sgt, %jit3A_779, %sign3A_788 : i32
    %sign3A_790 = arith.extui %sign3A_789 : i1 to i32
    %sign3A_791 = arith.constant 0 : i32
    %sign3A_792 = arith.cmpi slt, %jit3A_779, %sign3A_791 : i32
    %sign3A_793 = arith.extui %sign3A_792 : i1 to i32
    %sign3A_794 = arith.subi %sign3A_790, %sign3A_793 : i32
    %ne3A_795 = arith.cmpi ne, %sign3A_787, %sign3A_794 : i32
    %rem3A_796 = arith.remsi %get3A_778, %jit3A_779 : i32
    %ne3A_797 = arith.constant 0 : i32
    %ne3A_798 = arith.cmpi ne, %rem3A_796, %ne3A_797 : i32
    %and3A_799 = arith.andi %ne3A_795, %ne3A_798 : i1
    %sub3A_800 = arith.constant 1 : i32
    %sub3A_801 = arith.subi %div3A_780, %sub3A_800 : i32
    %select_n3A_802 = arith.select %and3A_799, %sub3A_801, %div3A_780 : i32
    %get3A_803 = arith.index_cast %select_n3A_802 : i32 to index
    %get3A_804 = arith.constant 0 : index
    %get3A_805 = vector.load %arg3[%get3A_803, %get3A_804] : memref<128x128xf32, #tpu.memory_space<vmem>>, vector<1x128xf32>
    %jit3A_806 = arith.constant 128 : i32
    %eq3A_807 = arith.constant 0 : i32
    %eq3A_808 = arith.cmpi eq, %jit3A_806, %eq3A_807 : i32
    %jit3A_809 = arith.constant 1 : i32
    %select_n3A_810 = arith.select %eq3A_808, %jit3A_809, %jit3A_806 : i32
    %rem3A_811 = arith.remsi %get3A_778, %select_n3A_810 : i32
    %ne3A_812 = arith.constant 0 : i32
    %ne3A_813 = arith.cmpi ne, %rem3A_811, %ne3A_812 : i32
    %lt3A_814 = arith.constant 0 : i32
    %lt3A_815 = arith.cmpi slt, %rem3A_811, %lt3A_814 : i32
    %lt3A_816 = arith.constant 0 : i32
    %lt3A_817 = arith.cmpi slt, %select_n3A_810, %lt3A_816 : i32
    %ne3A_818 = arith.xori %lt3A_815, %lt3A_817 : i1
    %and3A_819 = arith.andi %ne3A_818, %ne3A_813 : i1
    %add3A_820 = arith.addi %rem3A_811, %select_n3A_810 : i32
    %select_n3A_821 = arith.select %and3A_819, %add3A_820, %rem3A_811 : i32
    %eq3A_822 = vector.broadcast %select_n3A_821 : i32 to vector<1x128xi32>
    %eq3A_823 = arith.cmpi eq, %iota3A, %eq3A_822 : vector<1x128xi32>
    %jit3A_824 = arith.constant 0.000000e+00 : f32
    %broadcast_in_dim3A_825 = vector.broadcast %jit3A_824 : f32 to vector<1x128xf32>
    %select_n3A_826 = arith.select %eq3A_823, %get3A_805, %broadcast_in_dim3A_825 : vector<1x128xi1>, vector<1x128xf32>
    %reduce_sum3A_827 = vector.shape_cast %select_n3A_826 : vector<1x128xf32> to vector<1x1x128xf32>
    %reduce_sum3A_828 = arith.constant dense<0.000000e+00> : vector<1xf32>
    %reduce_sum3A_829 = vector.multi_reduction <add>, %reduce_sum3A_827, %reduce_sum3A_828 [1, 2] : vector<1x1x128xf32> to vector<1xf32>
    %reduce_sum3A_830 = vector.shape_cast %reduce_sum3A_829 : vector<1xf32> to vector<1x1x1xf32>
    %reduce_sum3A_831 = vector.extract %reduce_sum3A_830[0, 0, 0] : f32 from vector<1x1x1xf32>
    %mul3A_832 = arith.constant 5.000000e+00 : f32
    %mul3A_833 = arith.mulf %mul3A_832, %reduce_sum3A_831 : f32
    %exp3A_834 = math.exp %mul3A_833 : f32
    %get3A_835 = arith.constant 0 : index
    %get3A_836 = arith.constant 0 : index
    %get3A_837 = arith.constant 0 : index
    %get3A_838 = vector.load %arg20[%get3A_835, %get3A_836, %get3A_837] : memref<1x8x256xf32, #tpu.memory_space<vmem>>, vector<1x8x256xf32>
    %get3A_839 = vector.shape_cast %get3A_838 : vector<1x8x256xf32> to vector<8x256xf32>
    %mul3A_840 = vector.broadcast %exp3A_834 : f32 to vector<8x256xf32>
    %mul3A_841 = arith.mulf %mul3A_840, %get3A_839 : vector<8x256xf32>
    %add3A_842 = arith.addf %add3A_773, %mul3A_841 : vector<8x256xf32>
    %add3A_843 = arith.addf %add3A_774, %exp3A_834 : f32
    %add3A_844 = arith.constant 12 : i32
    %add3A_845 = arith.addi %mul3A_2, %add3A_844 : i32
    %get3A_846 = arith.index_cast %add3A_845 : i32 to index
    %get3A_847 = memref.load %arg1[%get3A_846] : memref<256xi32, #tpu.memory_space<smem>>
    %jit3A_848 = arith.constant 128 : i32
    %div3A_849 = arith.divsi %get3A_847, %jit3A_848 : i32
    %sign3A_850 = arith.constant 0 : i32
    %sign3A_851 = arith.cmpi sgt, %get3A_847, %sign3A_850 : i32
    %sign3A_852 = arith.extui %sign3A_851 : i1 to i32
    %sign3A_853 = arith.constant 0 : i32
    %sign3A_854 = arith.cmpi slt, %get3A_847, %sign3A_853 : i32
    %sign3A_855 = arith.extui %sign3A_854 : i1 to i32
    %sign3A_856 = arith.subi %sign3A_852, %sign3A_855 : i32
    %sign3A_857 = arith.constant 0 : i32
    %sign3A_858 = arith.cmpi sgt, %jit3A_848, %sign3A_857 : i32
    %sign3A_859 = arith.extui %sign3A_858 : i1 to i32
    %sign3A_860 = arith.constant 0 : i32
    %sign3A_861 = arith.cmpi slt, %jit3A_848, %sign3A_860 : i32
    %sign3A_862 = arith.extui %sign3A_861 : i1 to i32
    %sign3A_863 = arith.subi %sign3A_859, %sign3A_862 : i32
    %ne3A_864 = arith.cmpi ne, %sign3A_856, %sign3A_863 : i32
    %rem3A_865 = arith.remsi %get3A_847, %jit3A_848 : i32
    %ne3A_866 = arith.constant 0 : i32
    %ne3A_867 = arith.cmpi ne, %rem3A_865, %ne3A_866 : i32
    %and3A_868 = arith.andi %ne3A_864, %ne3A_867 : i1
    %sub3A_869 = arith.constant 1 : i32
    %sub3A_870 = arith.subi %div3A_849, %sub3A_869 : i32
    %select_n3A_871 = arith.select %and3A_868, %sub3A_870, %div3A_849 : i32
    %get3A_872 = arith.index_cast %select_n3A_871 : i32 to index
    %get3A_873 = arith.constant 0 : index
    %get3A_874 = vector.load %arg3[%get3A_872, %get3A_873] : memref<128x128xf32, #tpu.memory_space<vmem>>, vector<1x128xf32>
    %jit3A_875 = arith.constant 128 : i32
    %eq3A_876 = arith.constant 0 : i32
    %eq3A_877 = arith.cmpi eq, %jit3A_875, %eq3A_876 : i32
    %jit3A_878 = arith.constant 1 : i32
    %select_n3A_879 = arith.select %eq3A_877, %jit3A_878, %jit3A_875 : i32
    %rem3A_880 = arith.remsi %get3A_847, %select_n3A_879 : i32
    %ne3A_881 = arith.constant 0 : i32
    %ne3A_882 = arith.cmpi ne, %rem3A_880, %ne3A_881 : i32
    %lt3A_883 = arith.constant 0 : i32
    %lt3A_884 = arith.cmpi slt, %rem3A_880, %lt3A_883 : i32
    %lt3A_885 = arith.constant 0 : i32
    %lt3A_886 = arith.cmpi slt, %select_n3A_879, %lt3A_885 : i32
    %ne3A_887 = arith.xori %lt3A_884, %lt3A_886 : i1
    %and3A_888 = arith.andi %ne3A_887, %ne3A_882 : i1
    %add3A_889 = arith.addi %rem3A_880, %select_n3A_879 : i32
    %select_n3A_890 = arith.select %and3A_888, %add3A_889, %rem3A_880 : i32
    %eq3A_891 = vector.broadcast %select_n3A_890 : i32 to vector<1x128xi32>
    %eq3A_892 = arith.cmpi eq, %iota3A, %eq3A_891 : vector<1x128xi32>
    %jit3A_893 = arith.constant 0.000000e+00 : f32
    %broadcast_in_dim3A_894 = vector.broadcast %jit3A_893 : f32 to vector<1x128xf32>
    %select_n3A_895 = arith.select %eq3A_892, %get3A_874, %broadcast_in_dim3A_894 : vector<1x128xi1>, vector<1x128xf32>
    %reduce_sum3A_896 = vector.shape_cast %select_n3A_895 : vector<1x128xf32> to vector<1x1x128xf32>
    %reduce_sum3A_897 = arith.constant dense<0.000000e+00> : vector<1xf32>
    %reduce_sum3A_898 = vector.multi_reduction <add>, %reduce_sum3A_896, %reduce_sum3A_897 [1, 2] : vector<1x1x128xf32> to vector<1xf32>
    %reduce_sum3A_899 = vector.shape_cast %reduce_sum3A_898 : vector<1xf32> to vector<1x1x1xf32>
    %reduce_sum3A_900 = vector.extract %reduce_sum3A_899[0, 0, 0] : f32 from vector<1x1x1xf32>
    %mul3A_901 = arith.constant 5.000000e+00 : f32
    %mul3A_902 = arith.mulf %mul3A_901, %reduce_sum3A_900 : f32
    %exp3A_903 = math.exp %mul3A_902 : f32
    %get3A_904 = arith.constant 0 : index
    %get3A_905 = arith.constant 0 : index
    %get3A_906 = arith.constant 0 : index
    %get3A_907 = vector.load %arg21[%get3A_904, %get3A_905, %get3A_906] : memref<1x8x256xf32, #tpu.memory_space<vmem>>, vector<1x8x256xf32>
    %get3A_908 = vector.shape_cast %get3A_907 : vector<1x8x256xf32> to vector<8x256xf32>
    %mul3A_909 = vector.broadcast %exp3A_903 : f32 to vector<8x256xf32>
    %mul3A_910 = arith.mulf %mul3A_909, %get3A_908 : vector<8x256xf32>
    %add3A_911 = arith.addf %add3A_842, %mul3A_910 : vector<8x256xf32>
    %add3A_912 = arith.addf %add3A_843, %exp3A_903 : f32
    %add3A_913 = arith.constant 13 : i32
    %add3A_914 = arith.addi %mul3A_2, %add3A_913 : i32
    %get3A_915 = arith.index_cast %add3A_914 : i32 to index
    %get3A_916 = memref.load %arg1[%get3A_915] : memref<256xi32, #tpu.memory_space<smem>>
    %jit3A_917 = arith.constant 128 : i32
    %div3A_918 = arith.divsi %get3A_916, %jit3A_917 : i32
    %sign3A_919 = arith.constant 0 : i32
    %sign3A_920 = arith.cmpi sgt, %get3A_916, %sign3A_919 : i32
    %sign3A_921 = arith.extui %sign3A_920 : i1 to i32
    %sign3A_922 = arith.constant 0 : i32
    %sign3A_923 = arith.cmpi slt, %get3A_916, %sign3A_922 : i32
    %sign3A_924 = arith.extui %sign3A_923 : i1 to i32
    %sign3A_925 = arith.subi %sign3A_921, %sign3A_924 : i32
    %sign3A_926 = arith.constant 0 : i32
    %sign3A_927 = arith.cmpi sgt, %jit3A_917, %sign3A_926 : i32
    %sign3A_928 = arith.extui %sign3A_927 : i1 to i32
    %sign3A_929 = arith.constant 0 : i32
    %sign3A_930 = arith.cmpi slt, %jit3A_917, %sign3A_929 : i32
    %sign3A_931 = arith.extui %sign3A_930 : i1 to i32
    %sign3A_932 = arith.subi %sign3A_928, %sign3A_931 : i32
    %ne3A_933 = arith.cmpi ne, %sign3A_925, %sign3A_932 : i32
    %rem3A_934 = arith.remsi %get3A_916, %jit3A_917 : i32
    %ne3A_935 = arith.constant 0 : i32
    %ne3A_936 = arith.cmpi ne, %rem3A_934, %ne3A_935 : i32
    %and3A_937 = arith.andi %ne3A_933, %ne3A_936 : i1
    %sub3A_938 = arith.constant 1 : i32
    %sub3A_939 = arith.subi %div3A_918, %sub3A_938 : i32
    %select_n3A_940 = arith.select %and3A_937, %sub3A_939, %div3A_918 : i32
    %get3A_941 = arith.index_cast %select_n3A_940 : i32 to index
    %get3A_942 = arith.constant 0 : index
    %get3A_943 = vector.load %arg3[%get3A_941, %get3A_942] : memref<128x128xf32, #tpu.memory_space<vmem>>, vector<1x128xf32>
    %jit3A_944 = arith.constant 128 : i32
    %eq3A_945 = arith.constant 0 : i32
    %eq3A_946 = arith.cmpi eq, %jit3A_944, %eq3A_945 : i32
    %jit3A_947 = arith.constant 1 : i32
    %select_n3A_948 = arith.select %eq3A_946, %jit3A_947, %jit3A_944 : i32
    %rem3A_949 = arith.remsi %get3A_916, %select_n3A_948 : i32
    %ne3A_950 = arith.constant 0 : i32
    %ne3A_951 = arith.cmpi ne, %rem3A_949, %ne3A_950 : i32
    %lt3A_952 = arith.constant 0 : i32
    %lt3A_953 = arith.cmpi slt, %rem3A_949, %lt3A_952 : i32
    %lt3A_954 = arith.constant 0 : i32
    %lt3A_955 = arith.cmpi slt, %select_n3A_948, %lt3A_954 : i32
    %ne3A_956 = arith.xori %lt3A_953, %lt3A_955 : i1
    %and3A_957 = arith.andi %ne3A_956, %ne3A_951 : i1
    %add3A_958 = arith.addi %rem3A_949, %select_n3A_948 : i32
    %select_n3A_959 = arith.select %and3A_957, %add3A_958, %rem3A_949 : i32
    %eq3A_960 = vector.broadcast %select_n3A_959 : i32 to vector<1x128xi32>
    %eq3A_961 = arith.cmpi eq, %iota3A, %eq3A_960 : vector<1x128xi32>
    %jit3A_962 = arith.constant 0.000000e+00 : f32
    %broadcast_in_dim3A_963 = vector.broadcast %jit3A_962 : f32 to vector<1x128xf32>
    %select_n3A_964 = arith.select %eq3A_961, %get3A_943, %broadcast_in_dim3A_963 : vector<1x128xi1>, vector<1x128xf32>
    %reduce_sum3A_965 = vector.shape_cast %select_n3A_964 : vector<1x128xf32> to vector<1x1x128xf32>
    %reduce_sum3A_966 = arith.constant dense<0.000000e+00> : vector<1xf32>
    %reduce_sum3A_967 = vector.multi_reduction <add>, %reduce_sum3A_965, %reduce_sum3A_966 [1, 2] : vector<1x1x128xf32> to vector<1xf32>
    %reduce_sum3A_968 = vector.shape_cast %reduce_sum3A_967 : vector<1xf32> to vector<1x1x1xf32>
    %reduce_sum3A_969 = vector.extract %reduce_sum3A_968[0, 0, 0] : f32 from vector<1x1x1xf32>
    %mul3A_970 = arith.constant 5.000000e+00 : f32
    %mul3A_971 = arith.mulf %mul3A_970, %reduce_sum3A_969 : f32
    %exp3A_972 = math.exp %mul3A_971 : f32
    %get3A_973 = arith.constant 0 : index
    %get3A_974 = arith.constant 0 : index
    %get3A_975 = arith.constant 0 : index
    %get3A_976 = vector.load %arg22[%get3A_973, %get3A_974, %get3A_975] : memref<1x8x256xf32, #tpu.memory_space<vmem>>, vector<1x8x256xf32>
    %get3A_977 = vector.shape_cast %get3A_976 : vector<1x8x256xf32> to vector<8x256xf32>
    %mul3A_978 = vector.broadcast %exp3A_972 : f32 to vector<8x256xf32>
    %mul3A_979 = arith.mulf %mul3A_978, %get3A_977 : vector<8x256xf32>
    %add3A_980 = arith.addf %add3A_911, %mul3A_979 : vector<8x256xf32>
    %add3A_981 = arith.addf %add3A_912, %exp3A_972 : f32
    %add3A_982 = arith.constant 14 : i32
    %add3A_983 = arith.addi %mul3A_2, %add3A_982 : i32
    %get3A_984 = arith.index_cast %add3A_983 : i32 to index
    %get3A_985 = memref.load %arg1[%get3A_984] : memref<256xi32, #tpu.memory_space<smem>>
    %jit3A_986 = arith.constant 128 : i32
    %div3A_987 = arith.divsi %get3A_985, %jit3A_986 : i32
    %sign3A_988 = arith.constant 0 : i32
    %sign3A_989 = arith.cmpi sgt, %get3A_985, %sign3A_988 : i32
    %sign3A_990 = arith.extui %sign3A_989 : i1 to i32
    %sign3A_991 = arith.constant 0 : i32
    %sign3A_992 = arith.cmpi slt, %get3A_985, %sign3A_991 : i32
    %sign3A_993 = arith.extui %sign3A_992 : i1 to i32
    %sign3A_994 = arith.subi %sign3A_990, %sign3A_993 : i32
    %sign3A_995 = arith.constant 0 : i32
    %sign3A_996 = arith.cmpi sgt, %jit3A_986, %sign3A_995 : i32
    %sign3A_997 = arith.extui %sign3A_996 : i1 to i32
    %sign3A_998 = arith.constant 0 : i32
    %sign3A_999 = arith.cmpi slt, %jit3A_986, %sign3A_998 : i32
    %sign3A_1000 = arith.extui %sign3A_999 : i1 to i32
    %sign3A_1001 = arith.subi %sign3A_997, %sign3A_1000 : i32
    %ne3A_1002 = arith.cmpi ne, %sign3A_994, %sign3A_1001 : i32
    %rem3A_1003 = arith.remsi %get3A_985, %jit3A_986 : i32
    %ne3A_1004 = arith.constant 0 : i32
    %ne3A_1005 = arith.cmpi ne, %rem3A_1003, %ne3A_1004 : i32
    %and3A_1006 = arith.andi %ne3A_1002, %ne3A_1005 : i1
    %sub3A_1007 = arith.constant 1 : i32
    %sub3A_1008 = arith.subi %div3A_987, %sub3A_1007 : i32
    %select_n3A_1009 = arith.select %and3A_1006, %sub3A_1008, %div3A_987 : i32
    %get3A_1010 = arith.index_cast %select_n3A_1009 : i32 to index
    %get3A_1011 = arith.constant 0 : index
    %get3A_1012 = vector.load %arg3[%get3A_1010, %get3A_1011] : memref<128x128xf32, #tpu.memory_space<vmem>>, vector<1x128xf32>
    %jit3A_1013 = arith.constant 128 : i32
    %eq3A_1014 = arith.constant 0 : i32
    %eq3A_1015 = arith.cmpi eq, %jit3A_1013, %eq3A_1014 : i32
    %jit3A_1016 = arith.constant 1 : i32
    %select_n3A_1017 = arith.select %eq3A_1015, %jit3A_1016, %jit3A_1013 : i32
    %rem3A_1018 = arith.remsi %get3A_985, %select_n3A_1017 : i32
    %ne3A_1019 = arith.constant 0 : i32
    %ne3A_1020 = arith.cmpi ne, %rem3A_1018, %ne3A_1019 : i32
    %lt3A_1021 = arith.constant 0 : i32
    %lt3A_1022 = arith.cmpi slt, %rem3A_1018, %lt3A_1021 : i32
    %lt3A_1023 = arith.constant 0 : i32
    %lt3A_1024 = arith.cmpi slt, %select_n3A_1017, %lt3A_1023 : i32
    %ne3A_1025 = arith.xori %lt3A_1022, %lt3A_1024 : i1
    %and3A_1026 = arith.andi %ne3A_1025, %ne3A_1020 : i1
    %add3A_1027 = arith.addi %rem3A_1018, %select_n3A_1017 : i32
    %select_n3A_1028 = arith.select %and3A_1026, %add3A_1027, %rem3A_1018 : i32
    %eq3A_1029 = vector.broadcast %select_n3A_1028 : i32 to vector<1x128xi32>
    %eq3A_1030 = arith.cmpi eq, %iota3A, %eq3A_1029 : vector<1x128xi32>
    %jit3A_1031 = arith.constant 0.000000e+00 : f32
    %broadcast_in_dim3A_1032 = vector.broadcast %jit3A_1031 : f32 to vector<1x128xf32>
    %select_n3A_1033 = arith.select %eq3A_1030, %get3A_1012, %broadcast_in_dim3A_1032 : vector<1x128xi1>, vector<1x128xf32>
    %reduce_sum3A_1034 = vector.shape_cast %select_n3A_1033 : vector<1x128xf32> to vector<1x1x128xf32>
    %reduce_sum3A_1035 = arith.constant dense<0.000000e+00> : vector<1xf32>
    %reduce_sum3A_1036 = vector.multi_reduction <add>, %reduce_sum3A_1034, %reduce_sum3A_1035 [1, 2] : vector<1x1x128xf32> to vector<1xf32>
    %reduce_sum3A_1037 = vector.shape_cast %reduce_sum3A_1036 : vector<1xf32> to vector<1x1x1xf32>
    %reduce_sum3A_1038 = vector.extract %reduce_sum3A_1037[0, 0, 0] : f32 from vector<1x1x1xf32>
    %mul3A_1039 = arith.constant 5.000000e+00 : f32
    %mul3A_1040 = arith.mulf %mul3A_1039, %reduce_sum3A_1038 : f32
    %exp3A_1041 = math.exp %mul3A_1040 : f32
    %get3A_1042 = arith.constant 0 : index
    %get3A_1043 = arith.constant 0 : index
    %get3A_1044 = arith.constant 0 : index
    %get3A_1045 = vector.load %arg23[%get3A_1042, %get3A_1043, %get3A_1044] : memref<1x8x256xf32, #tpu.memory_space<vmem>>, vector<1x8x256xf32>
    %get3A_1046 = vector.shape_cast %get3A_1045 : vector<1x8x256xf32> to vector<8x256xf32>
    %mul3A_1047 = vector.broadcast %exp3A_1041 : f32 to vector<8x256xf32>
    %mul3A_1048 = arith.mulf %mul3A_1047, %get3A_1046 : vector<8x256xf32>
    %add3A_1049 = arith.addf %add3A_980, %mul3A_1048 : vector<8x256xf32>
    %add3A_1050 = arith.addf %add3A_981, %exp3A_1041 : f32
    %add3A_1051 = arith.constant 15 : i32
    %add3A_1052 = arith.addi %mul3A_2, %add3A_1051 : i32
    %get3A_1053 = arith.index_cast %add3A_1052 : i32 to index
    %get3A_1054 = memref.load %arg1[%get3A_1053] : memref<256xi32, #tpu.memory_space<smem>>
    %jit3A_1055 = arith.constant 128 : i32
    %div3A_1056 = arith.divsi %get3A_1054, %jit3A_1055 : i32
    %sign3A_1057 = arith.constant 0 : i32
    %sign3A_1058 = arith.cmpi sgt, %get3A_1054, %sign3A_1057 : i32
    %sign3A_1059 = arith.extui %sign3A_1058 : i1 to i32
    %sign3A_1060 = arith.constant 0 : i32
    %sign3A_1061 = arith.cmpi slt, %get3A_1054, %sign3A_1060 : i32
    %sign3A_1062 = arith.extui %sign3A_1061 : i1 to i32
    %sign3A_1063 = arith.subi %sign3A_1059, %sign3A_1062 : i32
    %sign3A_1064 = arith.constant 0 : i32
    %sign3A_1065 = arith.cmpi sgt, %jit3A_1055, %sign3A_1064 : i32
    %sign3A_1066 = arith.extui %sign3A_1065 : i1 to i32
    %sign3A_1067 = arith.constant 0 : i32
    %sign3A_1068 = arith.cmpi slt, %jit3A_1055, %sign3A_1067 : i32
    %sign3A_1069 = arith.extui %sign3A_1068 : i1 to i32
    %sign3A_1070 = arith.subi %sign3A_1066, %sign3A_1069 : i32
    %ne3A_1071 = arith.cmpi ne, %sign3A_1063, %sign3A_1070 : i32
    %rem3A_1072 = arith.remsi %get3A_1054, %jit3A_1055 : i32
    %ne3A_1073 = arith.constant 0 : i32
    %ne3A_1074 = arith.cmpi ne, %rem3A_1072, %ne3A_1073 : i32
    %and3A_1075 = arith.andi %ne3A_1071, %ne3A_1074 : i1
    %sub3A_1076 = arith.constant 1 : i32
    %sub3A_1077 = arith.subi %div3A_1056, %sub3A_1076 : i32
    %select_n3A_1078 = arith.select %and3A_1075, %sub3A_1077, %div3A_1056 : i32
    %get3A_1079 = arith.index_cast %select_n3A_1078 : i32 to index
    %get3A_1080 = arith.constant 0 : index
    %get3A_1081 = vector.load %arg3[%get3A_1079, %get3A_1080] : memref<128x128xf32, #tpu.memory_space<vmem>>, vector<1x128xf32>
    %jit3A_1082 = arith.constant 128 : i32
    %eq3A_1083 = arith.constant 0 : i32
    %eq3A_1084 = arith.cmpi eq, %jit3A_1082, %eq3A_1083 : i32
    %jit3A_1085 = arith.constant 1 : i32
    %select_n3A_1086 = arith.select %eq3A_1084, %jit3A_1085, %jit3A_1082 : i32
    %rem3A_1087 = arith.remsi %get3A_1054, %select_n3A_1086 : i32
    %ne3A_1088 = arith.constant 0 : i32
    %ne3A_1089 = arith.cmpi ne, %rem3A_1087, %ne3A_1088 : i32
    %lt3A_1090 = arith.constant 0 : i32
    %lt3A_1091 = arith.cmpi slt, %rem3A_1087, %lt3A_1090 : i32
    %lt3A_1092 = arith.constant 0 : i32
    %lt3A_1093 = arith.cmpi slt, %select_n3A_1086, %lt3A_1092 : i32
    %ne3A_1094 = arith.xori %lt3A_1091, %lt3A_1093 : i1
    %and3A_1095 = arith.andi %ne3A_1094, %ne3A_1089 : i1
    %add3A_1096 = arith.addi %rem3A_1087, %select_n3A_1086 : i32
    %select_n3A_1097 = arith.select %and3A_1095, %add3A_1096, %rem3A_1087 : i32
    %eq3A_1098 = vector.broadcast %select_n3A_1097 : i32 to vector<1x128xi32>
    %eq3A_1099 = arith.cmpi eq, %iota3A, %eq3A_1098 : vector<1x128xi32>
    %jit3A_1100 = arith.constant 0.000000e+00 : f32
    %broadcast_in_dim3A_1101 = vector.broadcast %jit3A_1100 : f32 to vector<1x128xf32>
    %select_n3A_1102 = arith.select %eq3A_1099, %get3A_1081, %broadcast_in_dim3A_1101 : vector<1x128xi1>, vector<1x128xf32>
    %reduce_sum3A_1103 = vector.shape_cast %select_n3A_1102 : vector<1x128xf32> to vector<1x1x128xf32>
    %reduce_sum3A_1104 = arith.constant dense<0.000000e+00> : vector<1xf32>
    %reduce_sum3A_1105 = vector.multi_reduction <add>, %reduce_sum3A_1103, %reduce_sum3A_1104 [1, 2] : vector<1x1x128xf32> to vector<1xf32>
    %reduce_sum3A_1106 = vector.shape_cast %reduce_sum3A_1105 : vector<1xf32> to vector<1x1x1xf32>
    %reduce_sum3A_1107 = vector.extract %reduce_sum3A_1106[0, 0, 0] : f32 from vector<1x1x1xf32>
    %mul3A_1108 = arith.constant 5.000000e+00 : f32
    %mul3A_1109 = arith.mulf %mul3A_1108, %reduce_sum3A_1107 : f32
    %exp3A_1110 = math.exp %mul3A_1109 : f32
    %get3A_1111 = arith.constant 0 : index
    %get3A_1112 = arith.constant 0 : index
    %get3A_1113 = arith.constant 0 : index
    %get3A_1114 = vector.load %arg24[%get3A_1111, %get3A_1112, %get3A_1113] : memref<1x8x256xf32, #tpu.memory_space<vmem>>, vector<1x8x256xf32>
    %get3A_1115 = vector.shape_cast %get3A_1114 : vector<1x8x256xf32> to vector<8x256xf32>
    %mul3A_1116 = vector.broadcast %exp3A_1110 : f32 to vector<8x256xf32>
    %mul3A_1117 = arith.mulf %mul3A_1116, %get3A_1115 : vector<8x256xf32>
    %add3A_1118 = arith.addf %add3A_1049, %mul3A_1117 : vector<8x256xf32>
    %add3A_1119 = arith.addf %add3A_1050, %exp3A_1110 : f32
    %mul3A_1120 = arith.constant 8 : i32
    %mul3A_1121 = arith.muli %select_n3A, %mul3A_1120 : i32
    %get3A_1122 = arith.index_cast %mul3A_1121 : i32 to index
    %get3A_1123 = arith.constant 0 : index
    %get3A_1124 = vector.load %arg29[%get3A_1122, %get3A_1123] : memref<32x256xf32, #tpu.memory_space<vmem>>, vector<8x256xf32>
    %add3A_1125 = arith.addf %get3A_1124, %add3A_1118 : vector<8x256xf32>
    %mul3A_1126 = arith.constant 8 : i32
    %mul3A_1127 = arith.muli %select_n3A, %mul3A_1126 : i32
    %swap3A = arith.index_cast %mul3A_1127 : i32 to index
    %swap3A_1128 = arith.constant 0 : index
    %swap3A_1129 = vector.load %arg29[%swap3A, %swap3A_1128] : memref<32x256xf32, #tpu.memory_space<vmem>>, vector<8x256xf32>
    tpu.vector_store %arg29[%swap3A, %swap3A_1128], %add3A_1125 {strides = array<i32>} : memref<32x256xf32, #tpu.memory_space<vmem>>, vector<8x256xf32>,
    %get3A_1130 = arith.index_cast %select_n3A : i32 to index
    %get3A_1131 = arith.constant 0 : index
    %get3A_1132 = vector.load %arg30[%get3A_1130, %get3A_1131] : memref<4x128xf32, #tpu.memory_space<vmem>>, vector<1x128xf32>
    %add3A_1133 = vector.broadcast %add3A_1119 : f32 to vector<1x128xf32>
    %add3A_1134 = arith.addf %get3A_1132, %add3A_1133 : vector<1x128xf32>
    %swap3A_1135 = arith.index_cast %select_n3A : i32 to index
    %swap3A_1136 = arith.constant 0 : index
    %swap3A_1137 = vector.load %arg30[%swap3A_1135, %swap3A_1136] : memref<4x128xf32, #tpu.memory_space<vmem>>, vector<1x128xf32>
    tpu.vector_store %arg30[%swap3A_1135, %swap3A_1136], %add3A_1134 {strides = array<i32>} : memref<4x128xf32, #tpu.memory_space<vmem>>, vector<1x128xf32>,
    %eq3A_1138 = arith.constant 15 : i32
    %eq3A_1139 = arith.cmpi eq, %arg0, %eq3A_1138 : i32
    %convert_element_type3A_1140 = arith.extui %eq3A_1139 : i1 to i32
    %cond3A_1141 = arith.constant 0 : i32
    %cond3A_1142 = arith.cmpi ne, %convert_element_type3A_1140, %cond3A_1141 : i32
    scf.if %cond3A_1142 {
      %broadcast_in_dim3A_1143 = arith.constant 0.000000e+00 : f32
      %broadcast_in_dim3A_1144 = vector.broadcast %broadcast_in_dim3A_1143 : f32 to vector<8x256xf32>
      %eq3A_1145 = arith.constant 0 : i32
      %eq3A_1146 = vector.broadcast %eq3A_1145 : i32 to vector<1x128xi32>
      %eq3A_1147 = arith.cmpi eq, %iota3A, %eq3A_1146 : vector<1x128xi32>
      %get3A_1148 = arith.constant 0 : index
      %get3A_1149 = arith.constant 0 : index
      %get3A_1150 = vector.load %arg30[%get3A_1148, %get3A_1149] : memref<4x128xf32, #tpu.memory_space<vmem>>, vector<1x128xf32>
      %jit3A_1151 = arith.constant 0.000000e+00 : f32
      %broadcast_in_dim3A_1152 = vector.broadcast %jit3A_1151 : f32 to vector<1x128xf32>
      %select_n3A_1153 = arith.select %eq3A_1147, %get3A_1150, %broadcast_in_dim3A_1152 : vector<1x128xi1>, vector<1x128xf32>
      %reduce_sum3A_1154 = vector.shape_cast %select_n3A_1153 : vector<1x128xf32> to vector<1x1x128xf32>
      %reduce_sum3A_1155 = arith.constant dense<0.000000e+00> : vector<1xf32>
      %reduce_sum3A_1156 = vector.multi_reduction <add>, %reduce_sum3A_1154, %reduce_sum3A_1155 [1, 2] : vector<1x1x128xf32> to vector<1xf32>
      %reduce_sum3A_1157 = vector.shape_cast %reduce_sum3A_1156 : vector<1xf32> to vector<1x1x1xf32>
      %reduce_sum3A_1158 = vector.extract %reduce_sum3A_1157[0, 0, 0] : f32 from vector<1x1x1xf32>
      %get3A_1159 = arith.constant 0 : index
      %get3A_1160 = arith.constant 0 : index
      %get3A_1161 = vector.load %arg29[%get3A_1159, %get3A_1160] : memref<32x256xf32, #tpu.memory_space<vmem>>, vector<8x256xf32>
      %div3A_1162 = arith.constant 2.500000e-01 : f32
      %div3A_1163 = arith.divf %div3A_1162, %reduce_sum3A_1158 : f32
      %mul3A_1164 = vector.broadcast %div3A_1163 : f32 to vector<8x256xf32>
      %mul3A_1165 = arith.mulf %get3A_1161, %mul3A_1164 : vector<8x256xf32>
      %add3A_1166 = arith.addf %broadcast_in_dim3A_1144, %mul3A_1165 : vector<8x256xf32>
      %eq3A_1167 = arith.constant 0 : i32
      %eq3A_1168 = vector.broadcast %eq3A_1167 : i32 to vector<1x128xi32>
      %eq3A_1169 = arith.cmpi eq, %iota3A, %eq3A_1168 : vector<1x128xi32>
      %get3A_1170 = arith.constant 1 : index
      %get3A_1171 = arith.constant 0 : index
      %get3A_1172 = vector.load %arg30[%get3A_1170, %get3A_1171] : memref<4x128xf32, #tpu.memory_space<vmem>>, vector<1x128xf32>
      %jit3A_1173 = arith.constant 0.000000e+00 : f32
      %broadcast_in_dim3A_1174 = vector.broadcast %jit3A_1173 : f32 to vector<1x128xf32>
      %select_n3A_1175 = arith.select %eq3A_1169, %get3A_1172, %broadcast_in_dim3A_1174 : vector<1x128xi1>, vector<1x128xf32>
      %reduce_sum3A_1176 = vector.shape_cast %select_n3A_1175 : vector<1x128xf32> to vector<1x1x128xf32>
      %reduce_sum3A_1177 = arith.constant dense<0.000000e+00> : vector<1xf32>
      %reduce_sum3A_1178 = vector.multi_reduction <add>, %reduce_sum3A_1176, %reduce_sum3A_1177 [1, 2] : vector<1x1x128xf32> to vector<1xf32>
      %reduce_sum3A_1179 = vector.shape_cast %reduce_sum3A_1178 : vector<1xf32> to vector<1x1x1xf32>
      %reduce_sum3A_1180 = vector.extract %reduce_sum3A_1179[0, 0, 0] : f32 from vector<1x1x1xf32>
      %get3A_1181 = arith.constant 8 : index
      %get3A_1182 = arith.constant 0 : index
      %get3A_1183 = vector.load %arg29[%get3A_1181, %get3A_1182] : memref<32x256xf32, #tpu.memory_space<vmem>>, vector<8x256xf32>
      %div3A_1184 = arith.constant 2.500000e-01 : f32
      %div3A_1185 = arith.divf %div3A_1184, %reduce_sum3A_1180 : f32
      %mul3A_1186 = vector.broadcast %div3A_1185 : f32 to vector<8x256xf32>
      %mul3A_1187 = arith.mulf %get3A_1183, %mul3A_1186 : vector<8x256xf32>
      %add3A_1188 = arith.addf %add3A_1166, %mul3A_1187 : vector<8x256xf32>
      %eq3A_1189 = arith.constant 0 : i32
      %eq3A_1190 = vector.broadcast %eq3A_1189 : i32 to vector<1x128xi32>
      %eq3A_1191 = arith.cmpi eq, %iota3A, %eq3A_1190 : vector<1x128xi32>
      %get3A_1192 = arith.constant 2 : index
      %get3A_1193 = arith.constant 0 : index
      %get3A_1194 = vector.load %arg30[%get3A_1192, %get3A_1193] : memref<4x128xf32, #tpu.memory_space<vmem>>, vector<1x128xf32>
      %jit3A_1195 = arith.constant 0.000000e+00 : f32
      %broadcast_in_dim3A_1196 = vector.broadcast %jit3A_1195 : f32 to vector<1x128xf32>
      %select_n3A_1197 = arith.select %eq3A_1191, %get3A_1194, %broadcast_in_dim3A_1196 : vector<1x128xi1>, vector<1x128xf32>
      %reduce_sum3A_1198 = vector.shape_cast %select_n3A_1197 : vector<1x128xf32> to vector<1x1x128xf32>
      %reduce_sum3A_1199 = arith.constant dense<0.000000e+00> : vector<1xf32>
      %reduce_sum3A_1200 = vector.multi_reduction <add>, %reduce_sum3A_1198, %reduce_sum3A_1199 [1, 2] : vector<1x1x128xf32> to vector<1xf32>
      %reduce_sum3A_1201 = vector.shape_cast %reduce_sum3A_1200 : vector<1xf32> to vector<1x1x1xf32>
      %reduce_sum3A_1202 = vector.extract %reduce_sum3A_1201[0, 0, 0] : f32 from vector<1x1x1xf32>
      %get3A_1203 = arith.constant 16 : index
      %get3A_1204 = arith.constant 0 : index
      %get3A_1205 = vector.load %arg29[%get3A_1203, %get3A_1204] : memref<32x256xf32, #tpu.memory_space<vmem>>, vector<8x256xf32>
      %div3A_1206 = arith.constant 2.500000e-01 : f32
      %div3A_1207 = arith.divf %div3A_1206, %reduce_sum3A_1202 : f32
      %mul3A_1208 = vector.broadcast %div3A_1207 : f32 to vector<8x256xf32>
      %mul3A_1209 = arith.mulf %get3A_1205, %mul3A_1208 : vector<8x256xf32>
      %add3A_1210 = arith.addf %add3A_1188, %mul3A_1209 : vector<8x256xf32>
      %eq3A_1211 = arith.constant 0 : i32
      %eq3A_1212 = vector.broadcast %eq3A_1211 : i32 to vector<1x128xi32>
      %eq3A_1213 = arith.cmpi eq, %iota3A, %eq3A_1212 : vector<1x128xi32>
      %get3A_1214 = arith.constant 3 : index
      %get3A_1215 = arith.constant 0 : index
      %get3A_1216 = vector.load %arg30[%get3A_1214, %get3A_1215] : memref<4x128xf32, #tpu.memory_space<vmem>>, vector<1x128xf32>
      %jit3A_1217 = arith.constant 0.000000e+00 : f32
      %broadcast_in_dim3A_1218 = vector.broadcast %jit3A_1217 : f32 to vector<1x128xf32>
      %select_n3A_1219 = arith.select %eq3A_1213, %get3A_1216, %broadcast_in_dim3A_1218 : vector<1x128xi1>, vector<1x128xf32>
      %reduce_sum3A_1220 = vector.shape_cast %select_n3A_1219 : vector<1x128xf32> to vector<1x1x128xf32>
      %reduce_sum3A_1221 = arith.constant dense<0.000000e+00> : vector<1xf32>
      %reduce_sum3A_1222 = vector.multi_reduction <add>, %reduce_sum3A_1220, %reduce_sum3A_1221 [1, 2] : vector<1x1x128xf32> to vector<1xf32>
      %reduce_sum3A_1223 = vector.shape_cast %reduce_sum3A_1222 : vector<1xf32> to vector<1x1x1xf32>
      %reduce_sum3A_1224 = vector.extract %reduce_sum3A_1223[0, 0, 0] : f32 from vector<1x1x1xf32>
      %get3A_1225 = arith.constant 24 : index
      %get3A_1226 = arith.constant 0 : index
      %get3A_1227 = vector.load %arg29[%get3A_1225, %get3A_1226] : memref<32x256xf32, #tpu.memory_space<vmem>>, vector<8x256xf32>
      %div3A_1228 = arith.constant 2.500000e-01 : f32
      %div3A_1229 = arith.divf %div3A_1228, %reduce_sum3A_1224 : f32
      %mul3A_1230 = vector.broadcast %div3A_1229 : f32 to vector<8x256xf32>
      %mul3A_1231 = arith.mulf %get3A_1227, %mul3A_1230 : vector<8x256xf32>
      %add3A_1232 = arith.addf %add3A_1210, %mul3A_1231 : vector<8x256xf32>
      %broadcast_in_dim3A_1233 = arith.constant 0.000000e+00 : f32
      %broadcast_in_dim3A_1234 = vector.broadcast %broadcast_in_dim3A_1233 : f32 to vector<1x128xf32>
      %slice3A = vector.extract_strided_slice %add3A_1232 {offsets = [0, 0], sizes = [1, 256], strides = [1, 1]} : vector<8x256xf32> to vector<1x256xf32>
      %get3A_1235 = arith.constant 0 : index
      %get3A_1236 = arith.constant 0 : index
      %get3A_1237 = arith.constant 0 : index
      %get3A_1238 = vector.load %arg6[%get3A_1235, %get3A_1236, %get3A_1237] : memref<128x8x256xf32, #tpu.memory_space<vmem>>, vector<128x1x256xf32>
      %get3A_1239 = vector.shape_cast %get3A_1238 : vector<128x1x256xf32> to vector<128x256xf32>
      %dot_general3A = arith.constant dense<0.000000e+00> : vector<1x128xf32>
      %dot_general3A_1240 = tpu.matmul %slice3A, %get3A_1239, %dot_general3A {dimension_numbers = #tpu.dot_dimension_numbers<[1], [1], [0], [0], [0, 0, 1, 0], [], []>, transpose_lhs_hint = false} : vector<1x256xf32>, vector<128x256xf32>, vector<1x128xf32> -> vector<1x128xf32>
      %add3A_1241 = arith.addf %broadcast_in_dim3A_1234, %dot_general3A_1240 : vector<1x128xf32>
      %slice3A_1242 = vector.extract_strided_slice %add3A_1232 {offsets = [1, 0], sizes = [1, 256], strides = [1, 1]} : vector<8x256xf32> to vector<1x256xf32>
      %get3A_1243 = arith.constant 0 : index
      %get3A_1244 = arith.constant 1 : index
      %get3A_1245 = arith.constant 0 : index
      %get3A_1246 = vector.load %arg6[%get3A_1243, %get3A_1244, %get3A_1245] : memref<128x8x256xf32, #tpu.memory_space<vmem>>, vector<128x1x256xf32>
      %get3A_1247 = vector.shape_cast %get3A_1246 : vector<128x1x256xf32> to vector<128x256xf32>
      %dot_general3A_1248 = arith.constant dense<0.000000e+00> : vector<1x128xf32>
      %dot_general3A_1249 = tpu.matmul %slice3A_1242, %get3A_1247, %dot_general3A_1248 {dimension_numbers = #tpu.dot_dimension_numbers<[1], [1], [0], [0], [0, 0, 1, 0], [], []>, transpose_lhs_hint = false} : vector<1x256xf32>, vector<128x256xf32>, vector<1x128xf32> -> vector<1x128xf32>
      %add3A_1250 = arith.addf %add3A_1241, %dot_general3A_1249 : vector<1x128xf32>
      %slice3A_1251 = vector.extract_strided_slice %add3A_1232 {offsets = [2, 0], sizes = [1, 256], strides = [1, 1]} : vector<8x256xf32> to vector<1x256xf32>
      %get3A_1252 = arith.constant 0 : index
      %get3A_1253 = arith.constant 2 : index
      %get3A_1254 = arith.constant 0 : index
      %get3A_1255 = vector.load %arg6[%get3A_1252, %get3A_1253, %get3A_1254] : memref<128x8x256xf32, #tpu.memory_space<vmem>>, vector<128x1x256xf32>
      %get3A_1256 = vector.shape_cast %get3A_1255 : vector<128x1x256xf32> to vector<128x256xf32>
      %dot_general3A_1257 = arith.constant dense<0.000000e+00> : vector<1x128xf32>
      %dot_general3A_1258 = tpu.matmul %slice3A_1251, %get3A_1256, %dot_general3A_1257 {dimension_numbers = #tpu.dot_dimension_numbers<[1], [1], [0], [0], [0, 0, 1, 0], [], []>, transpose_lhs_hint = false} : vector<1x256xf32>, vector<128x256xf32>, vector<1x128xf32> -> vector<1x128xf32>
      %add3A_1259 = arith.addf %add3A_1250, %dot_general3A_1258 : vector<1x128xf32>
      %slice3A_1260 = vector.extract_strided_slice %add3A_1232 {offsets = [3, 0], sizes = [1, 256], strides = [1, 1]} : vector<8x256xf32> to vector<1x256xf32>
      %get3A_1261 = arith.constant 0 : index
      %get3A_1262 = arith.constant 3 : index
      %get3A_1263 = arith.constant 0 : index
      %get3A_1264 = vector.load %arg6[%get3A_1261, %get3A_1262, %get3A_1263] : memref<128x8x256xf32, #tpu.memory_space<vmem>>, vector<128x1x256xf32>
      %get3A_1265 = vector.shape_cast %get3A_1264 : vector<128x1x256xf32> to vector<128x256xf32>
      %dot_general3A_1266 = arith.constant dense<0.000000e+00> : vector<1x128xf32>
      %dot_general3A_1267 = tpu.matmul %slice3A_1260, %get3A_1265, %dot_general3A_1266 {dimension_numbers = #tpu.dot_dimension_numbers<[1], [1], [0], [0], [0, 0, 1, 0], [], []>, transpose_lhs_hint = false} : vector<1x256xf32>, vector<128x256xf32>, vector<1x128xf32> -> vector<1x128xf32>
      %add3A_1268 = arith.addf %add3A_1259, %dot_general3A_1267 : vector<1x128xf32>
      %slice3A_1269 = vector.extract_strided_slice %add3A_1232 {offsets = [4, 0], sizes = [1, 256], strides = [1, 1]} : vector<8x256xf32> to vector<1x256xf32>
      %get3A_1270 = arith.constant 0 : index
      %get3A_1271 = arith.constant 4 : index
      %get3A_1272 = arith.constant 0 : index
      %get3A_1273 = vector.load %arg6[%get3A_1270, %get3A_1271, %get3A_1272] : memref<128x8x256xf32, #tpu.memory_space<vmem>>, vector<128x1x256xf32>
      %get3A_1274 = vector.shape_cast %get3A_1273 : vector<128x1x256xf32> to vector<128x256xf32>
      %dot_general3A_1275 = arith.constant dense<0.000000e+00> : vector<1x128xf32>
      %dot_general3A_1276 = tpu.matmul %slice3A_1269, %get3A_1274, %dot_general3A_1275 {dimension_numbers = #tpu.dot_dimension_numbers<[1], [1], [0], [0], [0, 0, 1, 0], [], []>, transpose_lhs_hint = false} : vector<1x256xf32>, vector<128x256xf32>, vector<1x128xf32> -> vector<1x128xf32>
      %add3A_1277 = arith.addf %add3A_1268, %dot_general3A_1276 : vector<1x128xf32>
      %slice3A_1278 = vector.extract_strided_slice %add3A_1232 {offsets = [5, 0], sizes = [1, 256], strides = [1, 1]} : vector<8x256xf32> to vector<1x256xf32>
      %get3A_1279 = arith.constant 0 : index
      %get3A_1280 = arith.constant 5 : index
      %get3A_1281 = arith.constant 0 : index
      %get3A_1282 = vector.load %arg6[%get3A_1279, %get3A_1280, %get3A_1281] : memref<128x8x256xf32, #tpu.memory_space<vmem>>, vector<128x1x256xf32>
      %get3A_1283 = vector.shape_cast %get3A_1282 : vector<128x1x256xf32> to vector<128x256xf32>
      %dot_general3A_1284 = arith.constant dense<0.000000e+00> : vector<1x128xf32>
      %dot_general3A_1285 = tpu.matmul %slice3A_1278, %get3A_1283, %dot_general3A_1284 {dimension_numbers = #tpu.dot_dimension_numbers<[1], [1], [0], [0], [0, 0, 1, 0], [], []>, transpose_lhs_hint = false} : vector<1x256xf32>, vector<128x256xf32>, vector<1x128xf32> -> vector<1x128xf32>
      %add3A_1286 = arith.addf %add3A_1277, %dot_general3A_1285 : vector<1x128xf32>
      %slice3A_1287 = vector.extract_strided_slice %add3A_1232 {offsets = [6, 0], sizes = [1, 256], strides = [1, 1]} : vector<8x256xf32> to vector<1x256xf32>
      %get3A_1288 = arith.constant 0 : index
      %get3A_1289 = arith.constant 6 : index
      %get3A_1290 = arith.constant 0 : index
      %get3A_1291 = vector.load %arg6[%get3A_1288, %get3A_1289, %get3A_1290] : memref<128x8x256xf32, #tpu.memory_space<vmem>>, vector<128x1x256xf32>
      %get3A_1292 = vector.shape_cast %get3A_1291 : vector<128x1x256xf32> to vector<128x256xf32>
      %dot_general3A_1293 = arith.constant dense<0.000000e+00> : vector<1x128xf32>
      %dot_general3A_1294 = tpu.matmul %slice3A_1287, %get3A_1292, %dot_general3A_1293 {dimension_numbers = #tpu.dot_dimension_numbers<[1], [1], [0], [0], [0, 0, 1, 0], [], []>, transpose_lhs_hint = false} : vector<1x256xf32>, vector<128x256xf32>, vector<1x128xf32> -> vector<1x128xf32>
      %add3A_1295 = arith.addf %add3A_1286, %dot_general3A_1294 : vector<1x128xf32>
      %slice3A_1296 = vector.extract_strided_slice %add3A_1232 {offsets = [7, 0], sizes = [1, 256], strides = [1, 1]} : vector<8x256xf32> to vector<1x256xf32>
      %get3A_1297 = arith.constant 0 : index
      %get3A_1298 = arith.constant 7 : index
      %get3A_1299 = arith.constant 0 : index
      %get3A_1300 = vector.load %arg6[%get3A_1297, %get3A_1298, %get3A_1299] : memref<128x8x256xf32, #tpu.memory_space<vmem>>, vector<128x1x256xf32>
      %get3A_1301 = vector.shape_cast %get3A_1300 : vector<128x1x256xf32> to vector<128x256xf32>
      %dot_general3A_1302 = arith.constant dense<0.000000e+00> : vector<1x128xf32>
      %dot_general3A_1303 = tpu.matmul %slice3A_1296, %get3A_1301, %dot_general3A_1302 {dimension_numbers = #tpu.dot_dimension_numbers<[1], [1], [0], [0], [0, 0, 1, 0], [], []>, transpose_lhs_hint = false} : vector<1x256xf32>, vector<128x256xf32>, vector<1x128xf32> -> vector<1x128xf32>
      %add3A_1304 = arith.addf %add3A_1295, %dot_general3A_1303 : vector<1x128xf32>
      %swap3A_1305 = arith.constant 0 : index
      %swap3A_1306 = arith.constant 0 : index
      %swap3A_1307 = vector.load %arg27[%swap3A_1305, %swap3A_1306] : memref<1x128xf32, #tpu.memory_space<vmem>>, vector<1x128xf32>
      tpu.vector_store %arg27[%swap3A_1305, %swap3A_1306], %add3A_1304 {strides = array<i32>} : memref<1x128xf32, #tpu.memory_space<vmem>>, vector<1x128xf32>,
      %get3A_1308 = arith.constant 0 : index
      %get3A_1309 = arith.constant 0 : index
      %get3A_1310 = vector.load %arg3[%get3A_1308, %get3A_1309] : memref<128x128xf32, #tpu.memory_space<vmem>>, vector<128x128xf32>
      %reduce_sum3A_1311 = vector.shape_cast %get3A_1310 : vector<128x128xf32> to vector<1x128x128xf32>
      %reduce_sum3A_1312 = arith.constant dense<0.000000e+00> : vector<1xf32>
      %reduce_sum3A_1313 = vector.multi_reduction <add>, %reduce_sum3A_1311, %reduce_sum3A_1312 [1, 2] : vector<1x128x128xf32> to vector<1xf32>
      %reduce_sum3A_1314 = vector.shape_cast %reduce_sum3A_1313 : vector<1xf32> to vector<1x1x1xf32>
      %reduce_sum3A_1315 = vector.extract %reduce_sum3A_1314[0, 0, 0] : f32 from vector<1x1x1xf32>
      %mul3A_1316 = arith.constant 6.10351563E-5 : f32
      %mul3A_1317 = arith.mulf %reduce_sum3A_1315, %mul3A_1316 : f32
      %get3A_1318 = arith.constant 0 : index
      %get3A_1319 = arith.constant 0 : index
      %get3A_1320 = vector.load %arg4[%get3A_1318, %get3A_1319] : memref<1x128xf32, #tpu.memory_space<vmem>>, vector<1x128xf32>
      %reduce_sum3A_1321 = vector.shape_cast %get3A_1320 : vector<1x128xf32> to vector<1x1x128xf32>
      %reduce_sum3A_1322 = arith.constant dense<0.000000e+00> : vector<1xf32>
      %reduce_sum3A_1323 = vector.multi_reduction <add>, %reduce_sum3A_1321, %reduce_sum3A_1322 [1, 2] : vector<1x1x128xf32> to vector<1xf32>
      %reduce_sum3A_1324 = vector.shape_cast %reduce_sum3A_1323 : vector<1xf32> to vector<1x1x1xf32>
      %reduce_sum3A_1325 = vector.extract %reduce_sum3A_1324[0, 0, 0] : f32 from vector<1x1x1xf32>
      %mul3A_1326 = arith.constant 2.500000e-01 : f32
      %mul3A_1327 = arith.mulf %reduce_sum3A_1325, %mul3A_1326 : f32
      %get3A_1328 = arith.constant 0 : index
      %get3A_1329 = arith.constant 0 : index
      %get3A_1330 = vector.load %arg5[%get3A_1328, %get3A_1329] : memref<1x128xf32, #tpu.memory_space<vmem>>, vector<1x128xf32>
      %eq3A_1331 = arith.constant 0 : i32
      %eq3A_1332 = vector.broadcast %eq3A_1331 : i32 to vector<1x128xi32>
      %eq3A_1333 = arith.cmpi eq, %iota3A, %eq3A_1332 : vector<1x128xi32>
      %jit3A_1334 = arith.constant 0.000000e+00 : f32
      %broadcast_in_dim3A_1335 = vector.broadcast %jit3A_1334 : f32 to vector<1x128xf32>
      %select_n3A_1336 = arith.select %eq3A_1333, %get3A_1330, %broadcast_in_dim3A_1335 : vector<1x128xi1>, vector<1x128xf32>
      %reduce_sum3A_1337 = vector.shape_cast %select_n3A_1336 : vector<1x128xf32> to vector<1x1x128xf32>
      %reduce_sum3A_1338 = arith.constant dense<0.000000e+00> : vector<1xf32>
      %reduce_sum3A_1339 = vector.multi_reduction <add>, %reduce_sum3A_1337, %reduce_sum3A_1338 [1, 2] : vector<1x1x128xf32> to vector<1xf32>
      %reduce_sum3A_1340 = vector.shape_cast %reduce_sum3A_1339 : vector<1xf32> to vector<1x1x1xf32>
      %reduce_sum3A_1341 = vector.extract %reduce_sum3A_1340[0, 0, 0] : f32 from vector<1x1x1xf32>
      %eq3A_1342 = arith.constant 1 : i32
      %eq3A_1343 = vector.broadcast %eq3A_1342 : i32 to vector<1x128xi32>
      %eq3A_1344 = arith.cmpi eq, %iota3A, %eq3A_1343 : vector<1x128xi32>
      %jit3A_1345 = arith.constant 0.000000e+00 : f32
      %broadcast_in_dim3A_1346 = vector.broadcast %jit3A_1345 : f32 to vector<1x128xf32>
      %select_n3A_1347 = arith.select %eq3A_1344, %get3A_1330, %broadcast_in_dim3A_1346 : vector<1x128xi1>, vector<1x128xf32>
      %reduce_sum3A_1348 = vector.shape_cast %select_n3A_1347 : vector<1x128xf32> to vector<1x1x128xf32>
      %reduce_sum3A_1349 = arith.constant dense<0.000000e+00> : vector<1xf32>
      %reduce_sum3A_1350 = vector.multi_reduction <add>, %reduce_sum3A_1348, %reduce_sum3A_1349 [1, 2] : vector<1x1x128xf32> to vector<1xf32>
      %reduce_sum3A_1351 = vector.shape_cast %reduce_sum3A_1350 : vector<1xf32> to vector<1x1x1xf32>
      %reduce_sum3A_1352 = vector.extract %reduce_sum3A_1351[0, 0, 0] : f32 from vector<1x1x1xf32>
      %sub3A_1353 = arith.subf %mul3A_1317, %reduce_sum3A_1341 : f32
      %mul3A_1354 = arith.constant 5.000000e-02 : f32
      %mul3A_1355 = arith.mulf %mul3A_1354, %sub3A_1353 : f32
      %add3A_1356 = arith.addf %reduce_sum3A_1341, %mul3A_1355 : f32
      %mul3A_1357 = arith.constant 0.949999988 : f32
      %mul3A_1358 = arith.mulf %reduce_sum3A_1352, %mul3A_1357 : f32
      %mul3A_1359 = arith.constant 5.000000e-02 : f32
      %mul3A_1360 = arith.mulf %mul3A_1359, %sub3A_1353 : f32
      %mul3A_1361 = arith.mulf %mul3A_1360, %sub3A_1353 : f32
      %add3A_1362 = arith.addf %mul3A_1358, %mul3A_1361 : f32
      %max3A = arith.constant 9.99999993E-9 : f32
      %max3A_1363 = arith.maximumf %add3A_1362, %max3A : f32
      %sqrt3A = math.sqrt %max3A_1363 : f32
      %mul3A_1364 = arith.constant 5.000000e-01 : f32
      %mul3A_1365 = arith.mulf %mul3A_1364, %sqrt3A : f32
      %add3A_1366 = arith.addf %add3A_1356, %mul3A_1365 : f32
      %max3A_1367 = arith.constant 3.000000e-01 : f32
      %max3A_1368 = arith.maximumf %add3A_1366, %max3A_1367 : f32
      %lt3A_1369 = arith.cmpf olt, %mul3A_1317, %max3A_1368 : f32
      %lt3A_1370 = arith.constant 5.000000e-01 : f32
      %lt3A_1371 = arith.cmpf olt, %mul3A_1327, %lt3A_1370 : f32
      %and3A_1372 = arith.andi %lt3A_1369, %lt3A_1371 : i1
      %jit3A_1373 = arith.constant 0.000000e+00 : f32
      %jit3A_1374 = arith.constant 1.000000e+00 : f32
      %select_n3A_1375 = arith.select %and3A_1372, %jit3A_1373, %jit3A_1374 : f32
      %mul3A_1376 = arith.mulf %mul3A_1317, %mul3A_1327 : f32
      %add3A_1377 = arith.constant 9.99999997E-7 : f32
      %add3A_1378 = arith.addf %mul3A_1376, %add3A_1377 : f32
      %get3A_1379 = arith.constant 0 : index
      %get3A_1380 = memref.load %arg2[%get3A_1379] : memref<8xi32, #tpu.memory_space<smem>>
      %get3A_1381 = arith.constant 0 : index
      %get3A_1382 = arith.constant 0 : index
      %get3A_1383 = vector.load %arg7[%get3A_1381, %get3A_1382] : memref<64x128xf32, #tpu.memory_space<vmem>>, vector<64x128xf32>
      %swap3A_1384 = arith.constant 0 : index
      %swap3A_1385 = arith.constant 0 : index
      %swap3A_1386 = vector.load %arg25[%swap3A_1384, %swap3A_1385] : memref<64x128xf32, #tpu.memory_space<vmem>>, vector<64x128xf32>
      tpu.vector_store %arg25[%swap3A_1384, %swap3A_1385], %get3A_1383 {strides = array<i32>} : memref<64x128xf32, #tpu.memory_space<vmem>>, vector<64x128xf32>,
      %get3A_1387 = arith.index_cast %get3A_1380 : i32 to index
      %get3A_1388 = arith.constant 0 : index
      %get3A_1389 = vector.load %arg7[%get3A_1387, %get3A_1388] : memref<64x128xf32, #tpu.memory_space<vmem>>, vector<1x128xf32>
      %mul3A_1390 = vector.broadcast %select_n3A_1375 : f32 to vector<1x128xf32>
      %mul3A_1391 = arith.mulf %mul3A_1390, %add3A_1304 : vector<1x128xf32>
      %sub3A_1392 = arith.constant 1.000000e+00 : f32
      %sub3A_1393 = arith.subf %sub3A_1392, %select_n3A_1375 : f32
      %mul3A_1394 = vector.broadcast %sub3A_1393 : f32 to vector<1x128xf32>
      %mul3A_1395 = arith.mulf %mul3A_1394, %get3A_1389 : vector<1x128xf32>
      %add3A_1396 = arith.addf %mul3A_1391, %mul3A_1395 : vector<1x128xf32>
      %swap3A_1397 = arith.index_cast %get3A_1380 : i32 to index
      %swap3A_1398 = arith.constant 0 : index
      %swap3A_1399 = vector.load %arg25[%swap3A_1397, %swap3A_1398] : memref<64x128xf32, #tpu.memory_space<vmem>>, vector<1x128xf32>
      tpu.vector_store %arg25[%swap3A_1397, %swap3A_1398], %add3A_1396 {strides = array<i32>} : memref<64x128xf32, #tpu.memory_space<vmem>>, vector<1x128xf32>,
      %iota3A_1400 = tpu.iota {dimensions = array<i32: 1>} : vector<1x64xi32>
      %get3A_1401 = arith.constant 0 : index
      %get3A_1402 = arith.constant 0 : index
      %get3A_1403 = vector.load %arg8[%get3A_1401, %get3A_1402] : memref<1x64xf32, #tpu.memory_space<vmem>>, vector<1x64xf32>
      %mul3A_1404 = arith.mulf %select_n3A_1375, %add3A_1378 : f32
      %sub3A_1405 = arith.constant 1.000000e+00 : f32
      %sub3A_1406 = arith.subf %sub3A_1405, %select_n3A_1375 : f32
      %mul3A_1407 = vector.broadcast %sub3A_1406 : f32 to vector<1x64xf32>
      %mul3A_1408 = arith.mulf %mul3A_1407, %get3A_1403 : vector<1x64xf32>
      %add3A_1409 = vector.broadcast %mul3A_1404 : f32 to vector<1x64xf32>
      %add3A_1410 = arith.addf %add3A_1409, %mul3A_1408 : vector<1x64xf32>
      %eq3A_1411 = vector.broadcast %get3A_1380 : i32 to vector<1x64xi32>
      %eq3A_1412 = arith.cmpi eq, %iota3A_1400, %eq3A_1411 : vector<1x64xi32>
      %select_n3A_1413 = arith.select %eq3A_1412, %add3A_1410, %get3A_1403 : vector<1x64xi1>, vector<1x64xf32>
      %swap3A_1414 = arith.constant 0 : index
      %swap3A_1415 = arith.constant 0 : index
      %swap3A_1416 = vector.load %arg26[%swap3A_1414, %swap3A_1415] : memref<1x64xf32, #tpu.memory_space<vmem>>, vector<1x64xf32>
      tpu.vector_store %arg26[%swap3A_1414, %swap3A_1415], %select_n3A_1413 {strides = array<i32>} : memref<1x64xf32, #tpu.memory_space<vmem>>, vector<1x64xf32>,
      %eq3A_1417 = arith.constant 0 : i32
      %eq3A_1418 = vector.broadcast %eq3A_1417 : i32 to vector<1x128xi32>
      %eq3A_1419 = arith.cmpi eq, %iota3A, %eq3A_1418 : vector<1x128xi32>
      %eq3A_1420 = arith.constant 1 : i32
      %eq3A_1421 = vector.broadcast %eq3A_1420 : i32 to vector<1x128xi32>
      %eq3A_1422 = arith.cmpi eq, %iota3A, %eq3A_1421 : vector<1x128xi32>
      %eq3A_1423 = arith.constant 2 : i32
      %eq3A_1424 = vector.broadcast %eq3A_1423 : i32 to vector<1x128xi32>
      %eq3A_1425 = arith.cmpi eq, %iota3A, %eq3A_1424 : vector<1x128xi32>
      %jit3A_1426 = arith.constant 0.000000e+00 : f32
      %broadcast_in_dim3A_1427 = vector.broadcast %select_n3A_1375 : f32 to vector<1x128xf32>
      %broadcast_in_dim3A_1428 = vector.broadcast %jit3A_1426 : f32 to vector<1x128xf32>
      %select_n3A_1429 = arith.select %eq3A_1425, %broadcast_in_dim3A_1427, %broadcast_in_dim3A_1428 : vector<1x128xi1>, vector<1x128xf32>
      %broadcast_in_dim3A_1430 = vector.broadcast %add3A_1362 : f32 to vector<1x128xf32>
      %select_n3A_1431 = arith.select %eq3A_1422, %broadcast_in_dim3A_1430, %select_n3A_1429 : vector<1x128xi1>, vector<1x128xf32>
      %broadcast_in_dim3A_1432 = vector.broadcast %add3A_1356 : f32 to vector<1x128xf32>
      %select_n3A_1433 = arith.select %eq3A_1419, %broadcast_in_dim3A_1432, %select_n3A_1431 : vector<1x128xi1>, vector<1x128xf32>
      %swap3A_1434 = arith.constant 0 : index
      %swap3A_1435 = arith.constant 0 : index
      %swap3A_1436 = vector.load %arg28[%swap3A_1434, %swap3A_1435] : memref<1x128xf32, #tpu.memory_space<vmem>>, vector<1x128xf32>
      tpu.vector_store %arg28[%swap3A_1434, %swap3A_1435], %select_n3A_1433 {strides = array<i32>} : memref<1x128xf32, #tpu.memory_space<vmem>>, vector<1x128xf32>,
    } else {
    }
    return
  }
  func.func @transform_0(%arg0: i32, %arg1: memref<256xi32, #tpu.memory_space<smem>>, %arg2: memref<8xi32, #tpu.memory_space<smem>>) -> (i32, i32) {
    %c0_i32 = arith.constant 0 : i32
    %c0_i32_0 = arith.constant 0 : i32
    %c0_i32_1 = arith.constant 0 : i32
    return %c0_i32, %c0_i32_0 : i32, i32
  }
  func.func @transform_1(%arg0: i32, %arg1: memref<256xi32, #tpu.memory_space<smem>>, %arg2: memref<8xi32, #tpu.memory_space<smem>>) -> (i32, i32) {
    %c0_i32 = arith.constant 0 : i32
    %c0_i32_0 = arith.constant 0 : i32
    %c0_i32_1 = arith.constant 0 : i32
    return %c0_i32, %c0_i32_0 : i32, i32
  }
  func.func @transform_2(%arg0: i32, %arg1: memref<256xi32, #tpu.memory_space<smem>>, %arg2: memref<8xi32, #tpu.memory_space<smem>>) -> (i32, i32) {
    %c0_i32 = arith.constant 0 : i32
    %c0_i32_0 = arith.constant 0 : i32
    %c0_i32_1 = arith.constant 0 : i32
    return %c0_i32, %c0_i32_0 : i32, i32
  }
  func.func @transform_3(%arg0: i32, %arg1: memref<256xi32, #tpu.memory_space<smem>>, %arg2: memref<8xi32, #tpu.memory_space<smem>>) -> (i32, i32, i32) {
    %c0_i32 = arith.constant 0 : i32
    %c0_i32_0 = arith.constant 0 : i32
    %c0_i32_1 = arith.constant 0 : i32
    %c0_i32_2 = arith.constant 0 : i32
    return %c0_i32, %c0_i32_0, %c0_i32_1 : i32, i32, i32
  }
  func.func @transform_4(%arg0: i32, %arg1: memref<256xi32, #tpu.memory_space<smem>>, %arg2: memref<8xi32, #tpu.memory_space<smem>>) -> (i32, i32) {
    %c0_i32 = arith.constant 0 : i32
    %c0_i32_0 = arith.constant 0 : i32
    %c0_i32_1 = arith.constant 0 : i32
    return %c0_i32, %c0_i32_0 : i32, i32
  }
  func.func @transform_5(%arg0: i32, %arg1: memref<256xi32, #tpu.memory_space<smem>>, %arg2: memref<8xi32, #tpu.memory_space<smem>>) -> (i32, i32) {
    %c0_i32 = arith.constant 0 : i32
    %c0_i32_0 = arith.constant 0 : i32
    %c0_i32_1 = arith.constant 0 : i32
    return %c0_i32, %c0_i32_0 : i32, i32
  }
  func.func @transform_6(%arg0: i32, %arg1: memref<256xi32, #tpu.memory_space<smem>>, %arg2: memref<8xi32, #tpu.memory_space<smem>>) -> (i32, i32, i32) {
    %mul3A = arith.constant 16 : i32
    %mul3A_0 = arith.muli %mul3A, %arg0 : i32
    %add3A = arith.constant 0 : i32
    %add3A_1 = arith.addi %mul3A_0, %add3A : i32
    %get3A = arith.index_cast %add3A_1 : i32 to index
    %get3A_2 = memref.load %arg1[%get3A] : memref<256xi32, #tpu.memory_space<smem>>
    %c0_i32 = arith.constant 0 : i32
    %c0_i32_3 = arith.constant 0 : i32
    %c0_i32_4 = arith.constant 0 : i32
    return %get3A_2, %c0_i32, %c0_i32_3 : i32, i32, i32
  }
  func.func @transform_7(%arg0: i32, %arg1: memref<256xi32, #tpu.memory_space<smem>>, %arg2: memref<8xi32, #tpu.memory_space<smem>>) -> (i32, i32, i32) {
    %mul3A = arith.constant 16 : i32
    %mul3A_0 = arith.muli %mul3A, %arg0 : i32
    %add3A = arith.constant 1 : i32
    %add3A_1 = arith.addi %mul3A_0, %add3A : i32
    %get3A = arith.index_cast %add3A_1 : i32 to index
    %get3A_2 = memref.load %arg1[%get3A] : memref<256xi32, #tpu.memory_space<smem>>
    %c0_i32 = arith.constant 0 : i32
    %c0_i32_3 = arith.constant 0 : i32
    %c0_i32_4 = arith.constant 0 : i32
    return %get3A_2, %c0_i32, %c0_i32_3 : i32, i32, i32
  }
  func.func @transform_8(%arg0: i32, %arg1: memref<256xi32, #tpu.memory_space<smem>>, %arg2: memref<8xi32, #tpu.memory_space<smem>>) -> (i32, i32, i32) {
    %mul3A = arith.constant 16 : i32
    %mul3A_0 = arith.muli %mul3A, %arg0 : i32
    %add3A = arith.constant 2 : i32
    %add3A_1 = arith.addi %mul3A_0, %add3A : i32
    %get3A = arith.index_cast %add3A_1 : i32 to index
    %get3A_2 = memref.load %arg1[%get3A] : memref<256xi32, #tpu.memory_space<smem>>
    %c0_i32 = arith.constant 0 : i32
    %c0_i32_3 = arith.constant 0 : i32
    %c0_i32_4 = arith.constant 0 : i32
    return %get3A_2, %c0_i32, %c0_i32_3 : i32, i32, i32
  }
  func.func @transform_9(%arg0: i32, %arg1: memref<256xi32, #tpu.memory_space<smem>>, %arg2: memref<8xi32, #tpu.memory_space<smem>>) -> (i32, i32, i32) {
    %mul3A = arith.constant 16 : i32
    %mul3A_0 = arith.muli %mul3A, %arg0 : i32
    %add3A = arith.constant 3 : i32
    %add3A_1 = arith.addi %mul3A_0, %add3A : i32
    %get3A = arith.index_cast %add3A_1 : i32 to index
    %get3A_2 = memref.load %arg1[%get3A] : memref<256xi32, #tpu.memory_space<smem>>
    %c0_i32 = arith.constant 0 : i32
    %c0_i32_3 = arith.constant 0 : i32
    %c0_i32_4 = arith.constant 0 : i32
    return %get3A_2, %c0_i32, %c0_i32_3 : i32, i32, i32
  }
  func.func @transform_10(%arg0: i32, %arg1: memref<256xi32, #tpu.memory_space<smem>>, %arg2: memref<8xi32, #tpu.memory_space<smem>>) -> (i32, i32, i32) {
    %mul3A = arith.constant 16 : i32
    %mul3A_0 = arith.muli %mul3A, %arg0 : i32
    %add3A = arith.constant 4 : i32
    %add3A_1 = arith.addi %mul3A_0, %add3A : i32
    %get3A = arith.index_cast %add3A_1 : i32 to index
    %get3A_2 = memref.load %arg1[%get3A] : memref<256xi32, #tpu.memory_space<smem>>
    %c0_i32 = arith.constant 0 : i32
    %c0_i32_3 = arith.constant 0 : i32
    %c0_i32_4 = arith.constant 0 : i32
    return %get3A_2, %c0_i32, %c0_i32_3 : i32, i32, i32
  }
  func.func @transform_11(%arg0: i32, %arg1: memref<256xi32, #tpu.memory_space<smem>>, %arg2: memref<8xi32, #tpu.memory_space<smem>>) -> (i32, i32, i32) {
    %mul3A = arith.constant 16 : i32
    %mul3A_0 = arith.muli %mul3A, %arg0 : i32
    %add3A = arith.constant 5 : i32
    %add3A_1 = arith.addi %mul3A_0, %add3A : i32
    %get3A = arith.index_cast %add3A_1 : i32 to index
    %get3A_2 = memref.load %arg1[%get3A] : memref<256xi32, #tpu.memory_space<smem>>
    %c0_i32 = arith.constant 0 : i32
    %c0_i32_3 = arith.constant 0 : i32
    %c0_i32_4 = arith.constant 0 : i32
    return %get3A_2, %c0_i32, %c0_i32_3 : i32, i32, i32
  }
  func.func @transform_12(%arg0: i32, %arg1: memref<256xi32, #tpu.memory_space<smem>>, %arg2: memref<8xi32, #tpu.memory_space<smem>>) -> (i32, i32, i32) {
    %mul3A = arith.constant 16 : i32
    %mul3A_0 = arith.muli %mul3A, %arg0 : i32
    %add3A = arith.constant 6 : i32
    %add3A_1 = arith.addi %mul3A_0, %add3A : i32
    %get3A = arith.index_cast %add3A_1 : i32 to index
    %get3A_2 = memref.load %arg1[%get3A] : memref<256xi32, #tpu.memory_space<smem>>
    %c0_i32 = arith.constant 0 : i32
    %c0_i32_3 = arith.constant 0 : i32
    %c0_i32_4 = arith.constant 0 : i32
    return %get3A_2, %c0_i32, %c0_i32_3 : i32, i32, i32
  }
  func.func @transform_13(%arg0: i32, %arg1: memref<256xi32, #tpu.memory_space<smem>>, %arg2: memref<8xi32, #tpu.memory_space<smem>>) -> (i32, i32, i32) {
    %mul3A = arith.constant 16 : i32
    %mul3A_0 = arith.muli %mul3A, %arg0 : i32
    %add3A = arith.constant 7 : i32
    %add3A_1 = arith.addi %mul3A_0, %add3A : i32
    %get3A = arith.index_cast %add3A_1 : i32 to index
    %get3A_2 = memref.load %arg1[%get3A] : memref<256xi32, #tpu.memory_space<smem>>
    %c0_i32 = arith.constant 0 : i32
    %c0_i32_3 = arith.constant 0 : i32
    %c0_i32_4 = arith.constant 0 : i32
    return %get3A_2, %c0_i32, %c0_i32_3 : i32, i32, i32
  }
  func.func @transform_14(%arg0: i32, %arg1: memref<256xi32, #tpu.memory_space<smem>>, %arg2: memref<8xi32, #tpu.memory_space<smem>>) -> (i32, i32, i32) {
    %mul3A = arith.constant 16 : i32
    %mul3A_0 = arith.muli %mul3A, %arg0 : i32
    %add3A = arith.constant 8 : i32
    %add3A_1 = arith.addi %mul3A_0, %add3A : i32
    %get3A = arith.index_cast %add3A_1 : i32 to index
    %get3A_2 = memref.load %arg1[%get3A] : memref<256xi32, #tpu.memory_space<smem>>
    %c0_i32 = arith.constant 0 : i32
    %c0_i32_3 = arith.constant 0 : i32
    %c0_i32_4 = arith.constant 0 : i32
    return %get3A_2, %c0_i32, %c0_i32_3 : i32, i32, i32
  }
  func.func @transform_15(%arg0: i32, %arg1: memref<256xi32, #tpu.memory_space<smem>>, %arg2: memref<8xi32, #tpu.memory_space<smem>>) -> (i32, i32, i32) {
    %mul3A = arith.constant 16 : i32
    %mul3A_0 = arith.muli %mul3A, %arg0 : i32
    %add3A = arith.constant 9 : i32
    %add3A_1 = arith.addi %mul3A_0, %add3A : i32
    %get3A = arith.index_cast %add3A_1 : i32 to index
    %get3A_2 = memref.load %arg1[%get3A] : memref<256xi32, #tpu.memory_space<smem>>
    %c0_i32 = arith.constant 0 : i32
    %c0_i32_3 = arith.constant 0 : i32
    %c0_i32_4 = arith.constant 0 : i32
    return %get3A_2, %c0_i32, %c0_i32_3 : i32, i32, i32
  }
  func.func @transform_16(%arg0: i32, %arg1: memref<256xi32, #tpu.memory_space<smem>>, %arg2: memref<8xi32, #tpu.memory_space<smem>>) -> (i32, i32, i32) {
    %mul3A = arith.constant 16 : i32
    %mul3A_0 = arith.muli %mul3A, %arg0 : i32
    %add3A = arith.constant 10 : i32
    %add3A_1 = arith.addi %mul3A_0, %add3A : i32
    %get3A = arith.index_cast %add3A_1 : i32 to index
    %get3A_2 = memref.load %arg1[%get3A] : memref<256xi32, #tpu.memory_space<smem>>
    %c0_i32 = arith.constant 0 : i32
    %c0_i32_3 = arith.constant 0 : i32
    %c0_i32_4 = arith.constant 0 : i32
    return %get3A_2, %c0_i32, %c0_i32_3 : i32, i32, i32
  }
  func.func @transform_17(%arg0: i32, %arg1: memref<256xi32, #tpu.memory_space<smem>>, %arg2: memref<8xi32, #tpu.memory_space<smem>>) -> (i32, i32, i32) {
    %mul3A = arith.constant 16 : i32
    %mul3A_0 = arith.muli %mul3A, %arg0 : i32
    %add3A = arith.constant 11 : i32
    %add3A_1 = arith.addi %mul3A_0, %add3A : i32
    %get3A = arith.index_cast %add3A_1 : i32 to index
    %get3A_2 = memref.load %arg1[%get3A] : memref<256xi32, #tpu.memory_space<smem>>
    %c0_i32 = arith.constant 0 : i32
    %c0_i32_3 = arith.constant 0 : i32
    %c0_i32_4 = arith.constant 0 : i32
    return %get3A_2, %c0_i32, %c0_i32_3 : i32, i32, i32
  }
  func.func @transform_18(%arg0: i32, %arg1: memref<256xi32, #tpu.memory_space<smem>>, %arg2: memref<8xi32, #tpu.memory_space<smem>>) -> (i32, i32, i32) {
    %mul3A = arith.constant 16 : i32
    %mul3A_0 = arith.muli %mul3A, %arg0 : i32
    %add3A = arith.constant 12 : i32
    %add3A_1 = arith.addi %mul3A_0, %add3A : i32
    %get3A = arith.index_cast %add3A_1 : i32 to index
    %get3A_2 = memref.load %arg1[%get3A] : memref<256xi32, #tpu.memory_space<smem>>
    %c0_i32 = arith.constant 0 : i32
    %c0_i32_3 = arith.constant 0 : i32
    %c0_i32_4 = arith.constant 0 : i32
    return %get3A_2, %c0_i32, %c0_i32_3 : i32, i32, i32
  }
  func.func @transform_19(%arg0: i32, %arg1: memref<256xi32, #tpu.memory_space<smem>>, %arg2: memref<8xi32, #tpu.memory_space<smem>>) -> (i32, i32, i32) {
    %mul3A = arith.constant 16 : i32
    %mul3A_0 = arith.muli %mul3A, %arg0 : i32
    %add3A = arith.constant 13 : i32
    %add3A_1 = arith.addi %mul3A_0, %add3A : i32
    %get3A = arith.index_cast %add3A_1 : i32 to index
    %get3A_2 = memref.load %arg1[%get3A] : memref<256xi32, #tpu.memory_space<smem>>
    %c0_i32 = arith.constant 0 : i32
    %c0_i32_3 = arith.constant 0 : i32
    %c0_i32_4 = arith.constant 0 : i32
    return %get3A_2, %c0_i32, %c0_i32_3 : i32, i32, i32
  }
  func.func @transform_20(%arg0: i32, %arg1: memref<256xi32, #tpu.memory_space<smem>>, %arg2: memref<8xi32, #tpu.memory_space<smem>>) -> (i32, i32, i32) {
    %mul3A = arith.constant 16 : i32
    %mul3A_0 = arith.muli %mul3A, %arg0 : i32
    %add3A = arith.constant 14 : i32
    %add3A_1 = arith.addi %mul3A_0, %add3A : i32
    %get3A = arith.index_cast %add3A_1 : i32 to index
    %get3A_2 = memref.load %arg1[%get3A] : memref<256xi32, #tpu.memory_space<smem>>
    %c0_i32 = arith.constant 0 : i32
    %c0_i32_3 = arith.constant 0 : i32
    %c0_i32_4 = arith.constant 0 : i32
    return %get3A_2, %c0_i32, %c0_i32_3 : i32, i32, i32
  }
  func.func @transform_21(%arg0: i32, %arg1: memref<256xi32, #tpu.memory_space<smem>>, %arg2: memref<8xi32, #tpu.memory_space<smem>>) -> (i32, i32, i32) {
    %mul3A = arith.constant 16 : i32
    %mul3A_0 = arith.muli %mul3A, %arg0 : i32
    %add3A = arith.constant 15 : i32
    %add3A_1 = arith.addi %mul3A_0, %add3A : i32
    %get3A = arith.index_cast %add3A_1 : i32 to index
    %get3A_2 = memref.load %arg1[%get3A] : memref<256xi32, #tpu.memory_space<smem>>
    %c0_i32 = arith.constant 0 : i32
    %c0_i32_3 = arith.constant 0 : i32
    %c0_i32_4 = arith.constant 0 : i32
    return %get3A_2, %c0_i32, %c0_i32_3 : i32, i32, i32
  }
  func.func @transform_22(%arg0: i32, %arg1: memref<256xi32, #tpu.memory_space<smem>>, %arg2: memref<8xi32, #tpu.memory_space<smem>>) -> (i32, i32) {
    %c0_i32 = arith.constant 0 : i32
    %c0_i32_0 = arith.constant 0 : i32
    %c0_i32_1 = arith.constant 0 : i32
    return %c0_i32, %c0_i32_0 : i32, i32
  }
  func.func @transform_23(%arg0: i32, %arg1: memref<256xi32, #tpu.memory_space<smem>>, %arg2: memref<8xi32, #tpu.memory_space<smem>>) -> (i32, i32) {
    %c0_i32 = arith.constant 0 : i32
    %c0_i32_0 = arith.constant 0 : i32
    %c0_i32_1 = arith.constant 0 : i32
    return %c0_i32, %c0_i32_0 : i32, i32
  }
  func.func @transform_24(%arg0: i32, %arg1: memref<256xi32, #tpu.memory_space<smem>>, %arg2: memref<8xi32, #tpu.memory_space<smem>>) -> (i32, i32) {
    %c0_i32 = arith.constant 0 : i32
    %c0_i32_0 = arith.constant 0 : i32
    %c0_i32_1 = arith.constant 0 : i32
    return %c0_i32, %c0_i32_0 : i32, i32
  }
  func.func @transform_25(%arg0: i32, %arg1: memref<256xi32, #tpu.memory_space<smem>>, %arg2: memref<8xi32, #tpu.memory_space<smem>>) -> (i32, i32) {
    %c0_i32 = arith.constant 0 : i32
    %c0_i32_0 = arith.constant 0 : i32
    %c0_i32_1 = arith.constant 0 : i32
    return %c0_i32, %c0_i32_0 : i32, i32
  }
}

</mosaic_0001>

<sc_bundles>
// kernel: sparse-core-data-format-call.cloned.1.call-start
scs
called_computation_lowered:
.L_overlay_start_0:
0x0: {  	s2 =	sld [smem:$0x3FD9]  }
0x1: {  	s3 =	sld [smem:$0x3FFE];
	_ =	sdelay $0x1  }
0x2: {  	s1 =	srdreg.scid  }
0x3: {  	s0 =	sand.u32 $0x1, s1  }
0x4: {  	s18 =	sshll.u32 s0, $0xA;
	s2 =	sadd.s32 s3, s2  }
0x5: {  	s2 =	sadd.s32 s2, s18  }
0x6: {  	[smem:$0x3FBE] =	sst s2  }
0x7: {  	_ = 	snop  }
0x8: {  	s2 =	sld [smem:$0x3FC9];
	(tm) =	ssettm $0x1  }
0x9: {  	s19 =	sld [smem:$0x3FFB];
	_ =	sdelay $0x3  }
0xa: {  	_ =	strace s19  }
0xb: {  	s3 =	sld [smem:$0x3FFC];
	_ =	sdelay $0x3  }
0xc: {  	_ =	strace s3  }
0xd: {  	s3 =	sld [smem:$0x3FFD];
	_ =	sdelay $0x3  }
0xe: {  	_ =	strace s3  }
0xf: {  	_ =	strace $0x8FFFFFFF  }
0x10: {  	s20 =	sld [smem:$0x3FDB];
	_ =	sdelay $0x1  }
0x11: {  	s4 =	simm.s32 $_scs_section_size  }
0x12: {  	s5 =	simm.s32 $_size__tile_overlayer_lowered;
	s6 =	simm.s32 $_tile_overlayer_lowered  }
0x13: {  	s23 =	simm.s32 $0x1BFF;
	s22 =	sshll.u32 s6, $0x1;
	s3 =	sadd.s32 s4, s20  }
0x14: {  	s7 =	simm.s32 $0x0;
	s21 =	sshll.u32 s5, $0x1;
	s5 =	sadd.s32 s22, s3  }
0x15: {  	[timem:s7], [sflag:s23] =	dma.local [hbm:s5], s21  }
0x16: {  	_ =	swait.ge [sflag:s23], s21  }
0x17: {  	s4 =	ssub.s32 $0x0, s21;
	[sflag:s23] =	ssyncset.done $0x0  }
0x18: {  	[sflag:s23] =	ssyncadd.s32 s4;
	_ =	sdelay $0x1  }
0x19: {  	s24 =	simm.s32 $0x1B8B  }
0x1a: {  	_ =	swait.ge [sflag:s24], $0x1  }
0x1b: {  	[sflag:s24] =	ssyncset.done $0x0  }
0x1c: {  	s26 =	simm.s32 $0x1B8E;
	s25 =	sld [smem:$0x3FFE];
	[sflag:s24] =	ssyncadd.s32 $0xFFFFFFFF  }
0x1d: {  	s27 =	simm.s32 $execute0_lowered;
	[smem:$0x3FD2] =	sst s26  }
0x1e: {  	s5 =	sshll.u32 s27, $0x1;
	_ =	strace $0x80000046;
	[dreg:$0x1] =	wrdreg $0xFFFFFFFF  }
0x1f: {  	s28 =	simm.s32 $_size_execute0_lowered;
	s3 =	sadd.s32 s3, s5;
	[dreg:$0x0] =	wrdreg $0x0  }
0x20: {  	s5 =	sshll.u32 s28, $0x1;
	[dreg:$0x2] =	wrdreg s3  }
0x21: {  	[dreg:$0x3] =	wrdreg s5  }
0x22: {  	[dreg:$0x4] =	wrdreg $0xC0  }
0x23: {  	_ =	task [dreg:s7], $0x5FFFF  }
0x24: {  	[dreg:$0x1] =	wrdreg $0xFFFFFFFF  }
0x25: {  	[dreg:$0x0] =	wrdreg $0x60  }
0x26: {  	[dreg:$0x2] =	wrdreg s2  }
0x27: {  	[dreg:$0x3] =	wrdreg s25  }
0x28: {  	[dreg:$0x4] =	wrdreg $0x9  }
0x29: {  	_ =	task.clear_ibuf [dreg:s7], $0x5FFFF;
	_ =	strace $0x90000046  }
0x2a: {  	s29 =	simm.s32 $0x9;
	_ =	strace $0x80000048  }
0x2b: {  	_ =	swait.ge [sflag:s29], $0x1  }
0x2c: {  	[sflag:s29] =	ssyncadd.s32 $0xFFFFFFFF  }
0x2d: {  	_ =	strace $0x90000048  }
0x2e: {  	_ =	sfence  }
0x2f: {  	s30 =	sld [smem:$0x0];
	_ =	sdelay $0x2  }
0x30: {  	s31 =	sshll.u32 s1, $0xD;
	s1 =	sshrl.u32 s1, $0x2  }
0x31: {  	s3 =	sand.u32 $0x4000, s31;
	s1 =	sadd.s32 s1, s30  }
0x32: {  	s0 =	sor.u32 s3, s0;
	s1 =	sshll.u32 s1, $0x11  }
0x33: {  	s0 =	sor.u32 s1, s0  }
0x34: {  	s0 =	sadd.s32 $0x8F2B, s0  }
0x35: {  	[sflag:s0] =	ssyncadd.remote.s32 $0x1  }
0x36: {  	_ =	sfence.sel $0xFFFF  }
0x37: {  	[dreg:$0x0] =	wrdreg $0xFFFFFFFF;
	(pc) =	sbr.abs _section_cstart, $3  }
0x38: {  	[dreg:$0x1] =	wrdreg $0xFFFFFFFF  }
0x39: {  	_ =	task.clear_ibuf [dreg:s7], $0x2FFFF;
	_ =	strace $0x9FFFFFFF  }
0x3a: {  	(tm) =	ssettm $0x7FFFFFFF  }
0x3b: {  	_ =	shalt  }
tec
execute0_lowered:
.L_overlay_start_1:
0x0: {  	(tag) =	ssettag $0x1  }
0x1: {  	s2 =	rddreg [dreg:$0x0]  }
0x2: {  	s3 =	rddreg [dreg:$0x1]  }
0x3: {  	s0 =	rddreg [dreg:$0x2];
	_ =	strace $0x80000047;
	s4 =	srdreg.scid  }
.Ltmp0:
0x4: {  	s1 =	stileid.u32;
	s6 =	simm.s32 $0x2;
	(pc) =	sbr.rel .LBB1_1-.Ltmp0, $4  }
0x5: {  	p0 =	por $0x0, $0x0;
	s9 =	simm.s32 $0x0;
	s5 =	sshll.u32 s4, $0x4  }
0x6: {  	s7 =	simm.s32 $0x0;
	s4 =	simm.s32 $0x1;
	s5 =	sand.u32 $0x10, s5  }
0x7: {  	s15 =	simm.s32 $0x0;
	[sflag:s4] =	ssyncpa.u1 $0x0;
	s5 =	sor.u32 s1, s5  }
0x8: {  	[sflag:s6] =	ssyncpa.u1 $0x0;
	s6 =	simm.s32 $0x0;
	s8 =	smov.u32 s5  }
.LBB1_7:
0x9: {  	s11 =	sadd.s32 $0x20, s8  }
0xa: {  	p1 =	slt.u32 s7, $0x2;
	s7 =	sadd.s32 $0x1, s7;
	p2 =	sgt.s32 s11, $0x7FF  }
0xb: {  	s11 =	smov.u32 @p2 s5;
	p2 =	sne.s32 s7, $0x42  }
.Ltmp1:
0xc: {  	_ = 	snop;
	(pc) =	sbr.rel @!p2 .LBB1_8-.Ltmp1, $4  }
0xd: {  	s10 =	simm.s32 @!p1 $0x2  }
0xe: {  	_ =	swait.ge @!p1 [sflag:s10], $0x4000  }
0xf: {  	s9 =	smov.u32 s8;
	[sflag:s10] =	ssyncset.done @!p1 $0x0  }
0x10: {  	p0 =	por !p0, !p0;
	s8 =	smov.u32 s11;
	[sflag:s10] =	ssyncadd.s32 @!p1 $0xFFFFC000  }
.LBB1_1:
0x11: {  	p1 =	sgt.u32 s7, $0x3F  }
0x12: {  	s10 =	sxor.u32 @!p1 $0xFFFFFFFF, s7  }
0x13: {  	s11 =	sshll.u32 @!p1 s8, $0xB;
	s10 =	sshll.u32 @!p1 s10, $0xE  }
0x14: {  	s12 =	simm.s32 @!p1 $0x0;
	s11 =	sadd.s32 @!p1 s2, s11;
	s10 =	sand.u32 @!p1 $0x4000, s10  }
0x15: {  	[tilespmem:s10], [sflag:$0x1] =	stream.linear.gather @!p1 [hbm4b:s11+s12], $0x4000, $0x38;
	[tilespmem:$0x10000] =	vst v63  }
0x16: {  	p1 =	seq.s32 s7, $0x0  }
0x17: {  	p2 =	seq.s32 @!p1 s7, $0x41  }
0x18: {  	p1 =	por p1, p2  }
.Ltmp2:
0x19: {  	_ = 	snop;
	(pc) =	sbr.rel @p1 .LBB1_7-.Ltmp2, $1  }
0x1a: {  	_ =	sdelay $0x3  }
0x1b: {  	s10 =	simm.s32 $0x1  }
0x1c: {  	_ =	swait.ge [sflag:s4], $0x4000;
	s11 =	sshll.u32 s7, $0xE;
	p1 =	por $0x0, $0x0  }
0x1d: {  	s16 =	simm.s32 $0x0;
	s17 =	simm.s32 $0x0;
	s10 =	simm.s32 @!p0 $0x0  }
0x1e: {  	[sflag:s4] =	ssyncset.done $0x0;
	s13 =	sand.u32 $0x4000, s11;
	s10 =	sshll.u32 s10, $0x10  }
0x1f: {  	[sflag:s4] =	ssyncadd.s32 $0xFFFFC000;
	s11 =	sor.u32 $0x8000, s13;
	s14 =	sshrl.u32 s10, $0x2  }
0x20: {  	s10 =	sor.u32 $0x40, s14;
	s12 =	sor.u32 $0x8410, s14;
	s14 =	sadd.s32 $0x8400, s14  }
.LBB1_3:
0x21: {  	v1 =	vld [tilespmem:s10+$0xFFFFFFD0]  }
0x22: {  	v2 =	vld [tilespmem:s10+$0x430]  }
0x23: {  	s18 =	sshll.u32 s17, $0xB;
	v4 =	vld [tilespmem:s10+$0xFFFFFFE0]  }
0x24: {  	v7 =	vld [tilespmem:s10+$0xFFFFFFF0];
	v0 =	vmov s18  }
0x25: {  	v8 =	vld [tilespmem:s10+$0x0]  }
0x26: {  	s30 =	sand.u32 $0x300, s15;
	v9 =	vld [tilespmem:s10+$0x10]  }
0x27: {  	s19 =	sand.u32 $0x80, s15;
	v10 =	vld [tilespmem:s10+$0x20];
	s18 =	sadd.s32 s30, s13  }
0x28: {  	v11 =	vld [tilespmem:s10+$0x30];
	s18 =	sadd.s32 s19, s18;
	s19 =	simm.s32 $0x1;
	[tilespmem:s12+$0x60] =	vst v2  }
0x29: {  	s31 =	sshll.u32 s16, $0x2;
	s19 =	simm.s32 @!p1 $0x0;
	[tilespmem:s12+$0xFFFFFC00] =	vst v1;
	v3 =	vld.idx.msk [tilespmem:v0+s18+$0x400 ss:$0x1], $0xffff  }
0x2a: {  	v6 =	vld [tilespmem:s10+$0x3D0];
	s19 =	sshll.u32 s19, $0x9;
	[tilespmem:s12+$0xFFFFFC10] =	vst v4;
	s18 =	sand.u32 $0xFFFFFC00, s31  }
0x2b: {  	v5 =	vld [tilespmem:s10+$0x3E0];
	[tilespmem:s12+$0xFFFFFC20] =	vst v7;
	s18 =	sor.u32 s19, s18  }
0x2c: {  	[tilespmem:s12+$0xFFFFFC30] =	vst v8;
	v4 =	vld [tilespmem:s10+$0x400];
	s18 =	sshrl.u32 s18, $0x2  }
0x2d: {  	[tilespmem:s12+$0xFFFFFC40] =	vst v9;
	v1 =	vld [tilespmem:s10+$0x410];
	s18 =	sadd.s32 s18, s14  }
0x2e: {  	[tilespmem:s18+$0x0] =	vst v3;
	v3 =	vld [tilespmem:s10+$0x3F0]  }
0x2f: {  	s22 =	simm.s32 $0x80;
	s21 =	simm.s32 $0x100;
	[tilespmem:s12+$0xFFFFFC50] =	vst v10;
	v2 =	vld [tilespmem:s10+$0x420]  }
0x30: {  	s20 =	smov.u32 s12;
	s23 =	sand.u32 $0x300, s22;
	v7 =	vld [tilespmem:s10+$0xFFFFFFC0];
	[tilespmem:s12+$0xFFFFFC60] =	vst v11;
	s19 =	sadd.s32 $0x80, s10  }
.LBB1_4:
0x31: {  	p2 =	sne.s32 s21, $0x380;
	v8 =	vld [tilespmem:s19+$0xFFFFFFD0];
	s22 =	sand.u32 $0x80, s22;
	s23 =	sadd.s32 s23, s13;
	[tilespmem:s20+$0x0] =	vst v6  }
0x32: {  	s23 =	sadd.s32 s22, s23;
	v6 =	vld [tilespmem:s19+$0x430];
	[tilespmem:s20+$0x10] =	vst v5;
	s22 =	smov.u32 s21  }
0x33: {  	v5 =	vld.idx.msk [tilespmem:v0+s23+$0x400 ss:$0x1], $0xffff;
	[tilespmem:s20+$0x20] =	vst v3  }
0x34: {  	v3 =	vld [tilespmem:s19+$0xFFFFFFE0];
	[tilespmem:s20+$0x30] =	vst v4  }
0x35: {  	v4 =	vld [tilespmem:s19+$0xFFFFFFF0];
	[tilespmem:s20+$0xFFFFFBF0] =	vst v7  }
0x36: {  	v7 =	vld [tilespmem:s19+$0x0];
	[tilespmem:s20+$0x40] =	vst v1  }
0x37: {  	v1 =	vld [tilespmem:s19+$0x10];
	[tilespmem:s20+$0x50] =	vst v2;
	s20 =	sadd.s32 $0x800, s20  }
0x38: {  	s18 =	sadd.s32 $0x800, s18;
	v2 =	vld [tilespmem:s19+$0x20];
	[tilespmem:s20+$0x60] =	vst v6  }
0x39: {  	v9 =	vld [tilespmem:s19+$0x30];
	[tilespmem:s18+$0x0] =	vst v5  }
0x3a: {  	[tilespmem:s20+$0xFFFFFC00] =	vst v8;
	v6 =	vld [tilespmem:s19+$0x3D0]  }
0x3b: {  	[tilespmem:s20+$0xFFFFFC10] =	vst v3;
	v5 =	vld [tilespmem:s19+$0x3E0]  }
.Ltmp3:
0x3c: {  	[tilespmem:s20+$0xFFFFFC20] =	vst v4;
	v3 =	vld [tilespmem:s19+$0x3F0];
	(pc) =	sbr.rel @p2 .LBB1_4-.Ltmp3, $4  }
0x3d: {  	[tilespmem:s20+$0xFFFFFC30] =	vst v7;
	v4 =	vld [tilespmem:s19+$0x400]  }
0x3e: {  	[tilespmem:s20+$0xFFFFFC40] =	vst v1;
	v1 =	vld [tilespmem:s19+$0x410]  }
0x3f: {  	[tilespmem:s20+$0xFFFFFC50] =	vst v2;
	v2 =	vld [tilespmem:s19+$0x420]  }
0x40: {  	s21 =	sadd.s32 $0x80, s21;
	s23 =	sand.u32 $0x300, s22;
	v7 =	vld [tilespmem:s19+$0xFFFFFFC0];
	[tilespmem:s20+$0xFFFFFC60] =	vst v9;
	s19 =	sadd.s32 $0x80, s19  }
0x41: {  	[tilespmem:s20+$0x0] =	vst v6  }
0x42: {  	[tilespmem:s20+$0x10] =	vst v5  }
0x43: {  	v49 =	vld [tilespmem:s19+$0x430];
	[tilespmem:s20+$0x20] =	vst v3  }
0x44: {  	v50 =	vld [tilespmem:s19+$0xFFFFFFD0];
	[tilespmem:s20+$0x30] =	vst v4  }
0x45: {  	v51 =	vld [tilespmem:s19+$0xFFFFFFE0];
	[tilespmem:s20+$0x40] =	vst v1  }
0x46: {  	v52 =	vld [tilespmem:s19+$0xFFFFFFF0];
	[tilespmem:s20+$0x50] =	vst v2  }
0x47: {  	s31 =	sadd.s32 $0x800, s20;
	v53 =	vld [tilespmem:s19+$0x0];
	[tilespmem:s20+$0xFFFFFBF0] =	vst v7  }
0x48: {  	v54 =	vld [tilespmem:s19+$0x10];
	[tilespmem:s31+$0x60] =	vst v49  }
0x49: {  	v55 =	vld [tilespmem:s19+$0x20];
	[tilespmem:s31+$0xFFFFFC00] =	vst v50  }
0x4a: {  	v56 =	vld [tilespmem:s19+$0x30];
	[tilespmem:s31+$0xFFFFFC10] =	vst v51  }
0x4b: {  	v57 =	vld [tilespmem:s19+$0x3D0];
	[tilespmem:s31+$0xFFFFFC20] =	vst v52  }
0x4c: {  	v58 =	vld [tilespmem:s19+$0x3E0];
	[tilespmem:s31+$0xFFFFFC30] =	vst v53  }
0x4d: {  	v59 =	vld [tilespmem:s19+$0x3F0];
	[tilespmem:s31+$0xFFFFFC40] =	vst v54  }
0x4e: {  	v60 =	vld [tilespmem:s19+$0x400];
	[tilespmem:s31+$0xFFFFFC50] =	vst v55  }
0x4f: {  	v61 =	vld [tilespmem:s19+$0xFFFFFFC0];
	[tilespmem:s31+$0xFFFFFC60] =	vst v56  }
0x50: {  	s21 =	sand.u32 $0x80, s22;
	s30 =	sadd.s32 s23, s13;
	v62 =	vld [tilespmem:s19+$0x410];
	[tilespmem:s31+$0x0] =	vst v57  }
0x51: {  	v63 =	vld [tilespmem:s19+$0x420];
	s17 =	sadd.s32 $0x1, s17;
	s21 =	sadd.s32 s21, s30;
	[tilespmem:s31+$0x10] =	vst v58  }
0x52: {  	p2 =	sne.s32 s17, $0x8;
	v0 =	vld.idx.msk [tilespmem:v0+s21+$0x400 ss:$0x1], $0xffff;
	[tilespmem:s31+$0x20] =	vst v59  }
.Ltmp4:
0x53: {  	[tilespmem:s31+$0x30] =	vst v60;
	(pc) =	sbr.rel @p2 .LBB1_3-.Ltmp4, $4  }
0x54: {  	[tilespmem:s31+$0xFFFFFBF0] =	vst v61  }
0x55: {  	[tilespmem:s31+$0x40] =	vst v62  }
0x56: {  	s18 =	sadd.s32 $0x800, s18;
	s10 =	sadd.s32 $0x800, s10;
	[tilespmem:s31+$0x50] =	vst v63  }
0x57: {  	s16 =	sadd.s32 $0x80, s16;
	p1 =	por !p1, !p1;
	s12 =	sadd.s32 $0x80, s12;
	[tilespmem:s18+$0x0] =	vst v0  }
.Ltmp5:
0x58: {  	(pc) =	sbr.rel .LBB1_7-.Ltmp5, $4  }
0x59: {  	_ = 	snop  }
0x5a: {  	s9 =	sshll.u32 s9, $0xB  }
0x5b: {  	s9 =	sadd.s32 s3, s9  }
0x5c: {  	[hbm4b:s9+s6] =	stream.linear.scatter [tilespmem:s11], [sflag:$0x2], $0x4000, $0x38;
	[tilespmem:$0x10000] =	vst v63  }
.LBB1_8:
0x5d: {  	_ =	sfence.sel $0x180000  }
0x5e: {  	s2 =	simm.s32 $0x1;
	[bflag:$0x0] =	sbarrier.arrive $0xFFFF  }
0x5f: {  	s31 =	simm.s32 $0x2;
	[sflag:s2] =	ssyncpa.u1 $0x1  }
0x60: {  	[sflag:s31] =	ssyncpa.u1 $0x1  }
0x61: {  	p0 =	sne.s32 s1, $0x0;
	_ =	strace $0x90000047  }
0x62: {  	s0 =	sadd.s32 @!p0 $0x100000, s0;
	[bflag:$0x2] =	sbarrier.arrive $0xFFFF  }
0x63: {  	[sflag:s0] =	ssyncadd.tile.s32 @!p0 $0x1;
	_ =	shalt  }
.Lfunc_end1:
_tile_overlayer_lowered:
.L_overlay_start_2:
0x64: {  	(tag) =	ssettag $0x2  }
0x65: {  	s0 =	rddreg [dreg:$0x0];
	s2 =	stileid.u32  }
0x66: {  	s1 =	rddreg [dreg:$0x1];
	p0 =	sne.s32 s2, $0x0  }
0x67: {  	s3 =	rddreg [dreg:$0x2];
	[bflag:$0x3] =	sbarrier.arrive $0xFFFF;
	s2 =	simm.s32 @!p0 $0x1C01  }
0x68: {  	[timem:s3], [sflag:s2] =	dma.local @!p0 [hbm:s0], s1  }
0x69: {  	s0 =	simm.s32 @!p0 $0x1  }
0x6a: {  	_ =	swait.ge @!p0 [sflag:s0], s1  }
0x6b: {  	s1 =	ssub.s32 @!p0 $0x0, s1;
	[sflag:s0] =	ssyncset.done @!p0 $0x0  }
0x6c: {  	[sflag:s0] =	ssyncadd.s32 @!p0 s1  }
0x6d: {  	[bflag:$0x3] =	sbarrier.arrive $0xFFFF  }
0x6e: {  	_ =	shalt  }

</sc_bundles>
